<compile_context>
chip_gen: v7x
topology: tpu7x:2x2x1
jax: 0.10.2.dev20260603
libtpu: 0.0.44.dev20260713+nightly
codegen_flags: <defaults>
</compile_context>

<pallas_src>
import functools

import jax
import jax.numpy as jnp
from jax import lax
from jax.experimental import pallas as pl
from jax.experimental.pallas import tpu as pltpu
from jax.experimental.pallas import tpu_sc as plsc

BATCH = 128
SIZE = 32768
N_GROUPS = 8
GROUP_SIZE = SIZE // N_GROUPS
THRESHOLD = 1.0

NUM_CORES = 2
NUM_SUBCORES = 16
NUM_WORKERS = NUM_CORES * NUM_SUBCORES
ROW_BLOCKS = NUM_WORKERS // N_GROUPS
ROWS_PER_WORKER = BATCH // ROW_BLOCKS
LANES = 16
NBUF = 4

_mesh = plsc.VectorSubcoreMesh(
    core_axis_name="c", subcore_axis_name="s",
    num_cores=NUM_CORES, num_subcores=NUM_SUBCORES)

_row_f32 = pltpu.VMEM((GROUP_SIZE,), jnp.float32)


@functools.partial(
    pl.kernel,
    out_type=(
        jax.ShapeDtypeStruct((BATCH, SIZE), jnp.float32),
        jax.ShapeDtypeStruct((BATCH, SIZE), jnp.float32),
    ),
    mesh=_mesh,
    compiler_params=pltpu.CompilerParams(needs_layout_passes=False),
    scratch_types=(
        [_row_f32]
        + [_row_f32] * NBUF
        + [_row_f32] * NBUF
        + [_row_f32] * NBUF
        + [_row_f32] * NBUF
        + [pltpu.SemaphoreType.DMA] * NBUF
        + [pltpu.SemaphoreType.DMA] * NBUF
    ),
)
def _wta_sc(i_hbm, v_hbm, beta_hbm, vout_hbm, sout_hbm, b_buf, *rest):
    i_bufs = rest[0:NBUF]
    v_bufs = rest[NBUF:2 * NBUF]
    vo_bufs = rest[2 * NBUF:3 * NBUF]
    s_bufs = rest[3 * NBUF:4 * NBUF]
    in_sems = rest[4 * NBUF:5 * NBUF]
    out_sems = rest[5 * NBUF:6 * NBUF]

    wid = lax.axis_index("c") * NUM_SUBCORES + lax.axis_index("s")
    g = wid // ROW_BLOCKS
    row0 = (wid % ROW_BLOCKS) * ROWS_PER_WORKER
    col0 = g * GROUP_SIZE

    pltpu.sync_copy(beta_hbm.at[pl.ds(col0, GROUP_SIZE)], b_buf)

    def hbm_slice(ref, r):
        return ref.at[row0 + r, pl.ds(col0, GROUP_SIZE)]

    def issue_in(r, b):
        pltpu.async_copy(hbm_slice(i_hbm, r), i_bufs[b], in_sems[b])
        pltpu.async_copy(hbm_slice(v_hbm, r), v_bufs[b], in_sems[b])

    def wait_in(b):
        pltpu.make_async_copy(hbm_slice(i_hbm, 0), i_bufs[b], in_sems[b]).wait()
        pltpu.make_async_copy(hbm_slice(v_hbm, 0), v_bufs[b], in_sems[b]).wait()

    def issue_out(r, b):
        pltpu.async_copy(vo_bufs[b], hbm_slice(vout_hbm, r), out_sems[b])
        pltpu.async_copy(s_bufs[b], hbm_slice(sout_hbm, r), out_sems[b])

    def wait_out(b):
        pltpu.make_async_copy(vo_bufs[b], hbm_slice(vout_hbm, 0), out_sems[b]).wait()
        pltpu.make_async_copy(s_bufs[b], hbm_slice(sout_hbm, 0), out_sems[b]).wait()

    for b in range(NBUF - 1):
        issue_in(b, b)

    def step(r, b):
        @pl.when(r + NBUF - 1 < ROWS_PER_WORKER)
        def _():
            issue_in(r + NBUF - 1, (b + NBUF - 1) % NBUF)

        wait_in(b)

        @pl.when(r >= NBUF)
        def _():
            wait_out(b)

        @plsc.parallel_loop(0, GROUP_SIZE, LANES, unroll=8,
                            carry=jnp.zeros((LANES,), jnp.float32))
        def m(o, mc):
            sl = pl.ds(o, LANES)
            v = b_buf[sl] * v_bufs[b][sl] + i_bufs[b][sl]
            spk = jnp.where(v >= THRESHOLD, 1.0, 0.0)
            vo_bufs[b][sl] = v - spk
            s_bufs[b][sl] = spk
            return jnp.maximum(mc, spk)

        c = plsc.cummax(m)
        gm = plsc.cummax(jnp.maximum(c, lax.rev(c, (0,))))

        @plsc.parallel_loop(0, GROUP_SIZE, LANES, unroll=8)
        def _(o):
            sl = pl.ds(o, LANES)
            s = s_bufs[b][sl]
            s_bufs[b][sl] = jnp.where(s >= gm, s, 0.0)

        issue_out(r, b)

    def outer(t, carry):
        for b in range(NBUF):
            step(t * NBUF + b, b)
        return carry

    lax.fori_loop(0, ROWS_PER_WORKER // NBUF, outer, 0)
    for b in range(NBUF):
        wait_out(b)


def kernel(input_current, v_prev, beta):
    return _wta_sc(input_current, v_prev, beta)

# --- scband reference (transcript-rebuilt; emitter-appended) ---
"""Pipeline reference for scband-wtalayer-15831249453638 (READ-ONLY COPY).

The authoritative reference and input builder live on the scoring server;
editing this copy changes nothing except your own understanding.
"""

import jax, jax.numpy as jnp
import numpy as np

SIZE = 32768
N_GROUPS = 8
K = 1
GROUP_SIZE = SIZE // N_GROUPS
THRESHOLD = 1.0
BETA_INIT = 0.95
ALPHA = 10.0  # surrogate gradient sharpness
BATCH = 128


def setup_inputs(seed: int = 0) -> dict:
    key = jax.random.key(seed)
    k1, k2 = jax.random.split(key)
    input_current = jax.random.normal(k1, (BATCH, SIZE), dtype=jnp.float32)
    v_prev = jax.random.normal(k2, (BATCH, SIZE), dtype=jnp.float32)
    # learned decay parameter of the LIF neuron (learn_beta=True)
    beta = jnp.full((SIZE,), BETA_INIT, dtype=jnp.float32)
    return {"input_current": input_current, "v_prev": v_prev, "beta": beta}


def _lif(input_current, v_prev, beta):
    # leaky integrate-and-fire: v = beta * v_prev + I
    v = beta * v_prev + input_current
    hard = (v >= THRESHOLD).astype(jnp.float32)
    # straight-through with sigmoid surrogate (standard SNN surrogate grad)
    surr = jax.nn.sigmoid(ALPHA * (v - THRESHOLD))
    spikes = surr + jax.lax.stop_gradient(hard - surr)
    # soft reset
    v_out = v - spikes * THRESHOLD
    return v_out, spikes


def reference(input_current, v_prev, beta):
    v, spikes = _lif(input_current, v_prev, beta)
    batch = spikes.shape[0]
    # training-mode two-pass WTA: per-group top-k threshold + masking
    sg = spikes.reshape(batch, N_GROUPS, GROUP_SIZE)
    topk_vals, _ = jax.lax.top_k(sg, K)
    threshold_per_group = jax.lax.stop_gradient(topk_vals[:, :, K - 1:K])
    mask = (sg >= threshold_per_group).astype(jnp.float32)
    spikes_out = (sg * mask).reshape(batch, SIZE)
    return v, spikes_out

if __name__ == "__main__":
    import jax
    _d = setup_inputs()
    print(jax.jit(kernel)(*tuple(_d.values())))

</pallas_src>

<mosaic_0001>
#map = affine_map<(d0, d1) -> (0, 0)>
#map1 = affine_map<(d0, d1) -> (0)>
module attributes {stable_mosaic.version = 14 : i64} {
  func.func @_wta_sc(%arg0: i32, %arg1: i32, %arg2: memref<128x32768xf32, #tpu.memory_space<hbm>>, %arg3: memref<128x32768xf32, #tpu.memory_space<hbm>>, %arg4: memref<32768xf32, #tpu.memory_space<hbm>>, %arg5: memref<128x32768xf32, #tpu.memory_space<hbm>>, %arg6: memref<128x32768xf32, #tpu.memory_space<hbm>>, %arg7: memref<4096xf32, #tpu.memory_space<vmem>>, %arg8: memref<4096xf32, #tpu.memory_space<vmem>>, %arg9: memref<4096xf32, #tpu.memory_space<vmem>>, %arg10: memref<4096xf32, #tpu.memory_space<vmem>>, %arg11: memref<4096xf32, #tpu.memory_space<vmem>>, %arg12: memref<4096xf32, #tpu.memory_space<vmem>>, %arg13: memref<4096xf32, #tpu.memory_space<vmem>>, %arg14: memref<4096xf32, #tpu.memory_space<vmem>>, %arg15: memref<4096xf32, #tpu.memory_space<vmem>>, %arg16: memref<4096xf32, #tpu.memory_space<vmem>>, %arg17: memref<4096xf32, #tpu.memory_space<vmem>>, %arg18: memref<4096xf32, #tpu.memory_space<vmem>>, %arg19: memref<4096xf32, #tpu.memory_space<vmem>>, %arg20: memref<4096xf32, #tpu.memory_space<vmem>>, %arg21: memref<4096xf32, #tpu.memory_space<vmem>>, %arg22: memref<4096xf32, #tpu.memory_space<vmem>>, %arg23: memref<4096xf32, #tpu.memory_space<vmem>>, %arg24: memref<!tpu.dma_semaphore, #tpu.memory_space<semaphore_mem>>, %arg25: memref<!tpu.dma_semaphore, #tpu.memory_space<semaphore_mem>>, %arg26: memref<!tpu.dma_semaphore, #tpu.memory_space<semaphore_mem>>, %arg27: memref<!tpu.dma_semaphore, #tpu.memory_space<semaphore_mem>>, %arg28: memref<!tpu.dma_semaphore, #tpu.memory_space<semaphore_mem>>, %arg29: memref<!tpu.dma_semaphore, #tpu.memory_space<semaphore_mem>>, %arg30: memref<!tpu.dma_semaphore, #tpu.memory_space<semaphore_mem>>, %arg31: memref<!tpu.dma_semaphore, #tpu.memory_space<semaphore_mem>>) attributes {dimension_semantics = [#tpu.dimension_semantics<core_parallel>, #tpu.dimension_semantics<subcore_parallel>], iteration_bounds = array<i64: 2, 16>, scalar_prefetch = 0 : i64, scratch_operands = 25 : i64, tpu.core_type = #tpu.core_type<sc_vector_subcore>, window_params = [{transform_indices = #map}, {transform_indices = #map}, {transform_indices = #map1}, {transform_indices = #map}, {transform_indices = #map}]} {
    %mul3A = arith.constant 16 : i32
    %mul3A_0 = arith.muli %arg0, %mul3A : i32
    %add3A = arith.addi %mul3A_0, %arg1 : i32
    %jit3A = arith.constant 4 : i32
    %div3A = arith.divsi %add3A, %jit3A : i32
    %sign3A = arith.constant 0 : i32
    %sign3A_1 = arith.cmpi sgt, %add3A, %sign3A : i32
    %sign3A_2 = arith.extui %sign3A_1 : i1 to i32
    %sign3A_3 = arith.constant 0 : i32
    %sign3A_4 = arith.cmpi slt, %add3A, %sign3A_3 : i32
    %sign3A_5 = arith.extui %sign3A_4 : i1 to i32
    %sign3A_6 = arith.subi %sign3A_2, %sign3A_5 : i32
    %sign3A_7 = arith.constant 0 : i32
    %sign3A_8 = arith.cmpi sgt, %jit3A, %sign3A_7 : i32
    %sign3A_9 = arith.extui %sign3A_8 : i1 to i32
    %sign3A_10 = arith.constant 0 : i32
    %sign3A_11 = arith.cmpi slt, %jit3A, %sign3A_10 : i32
    %sign3A_12 = arith.extui %sign3A_11 : i1 to i32
    %sign3A_13 = arith.subi %sign3A_9, %sign3A_12 : i32
    %ne3A = arith.cmpi ne, %sign3A_6, %sign3A_13 : i32
    %rem3A = arith.remsi %add3A, %jit3A : i32
    %ne3A_14 = arith.constant 0 : i32
    %ne3A_15 = arith.cmpi ne, %rem3A, %ne3A_14 : i32
    %and3A = arith.andi %ne3A, %ne3A_15 : i1
    %sub3A = arith.constant 1 : i32
    %sub3A_16 = arith.subi %div3A, %sub3A : i32
    %select_n3A = arith.select %and3A, %sub3A_16, %div3A : i32
    %jit3A_17 = arith.constant 4 : i32
    %eq3A = arith.constant 0 : i32
    %eq3A_18 = arith.cmpi eq, %jit3A_17, %eq3A : i32
    %jit3A_19 = arith.constant 1 : i32
    %select_n3A_20 = arith.select %eq3A_18, %jit3A_19, %jit3A_17 : i32
    %rem3A_21 = arith.remsi %add3A, %select_n3A_20 : i32
    %ne3A_22 = arith.constant 0 : i32
    %ne3A_23 = arith.cmpi ne, %rem3A_21, %ne3A_22 : i32
    %lt3A = arith.constant 0 : i32
    %lt3A_24 = arith.cmpi slt, %rem3A_21, %lt3A : i32
    %lt3A_25 = arith.constant 0 : i32
    %lt3A_26 = arith.cmpi slt, %select_n3A_20, %lt3A_25 : i32
    %ne3A_27 = arith.xori %lt3A_24, %lt3A_26 : i1
    %and3A_28 = arith.andi %ne3A_27, %ne3A_23 : i1
    %add3A_29 = arith.addi %rem3A_21, %select_n3A_20 : i32
    %select_n3A_30 = arith.select %and3A_28, %add3A_29, %rem3A_21 : i32
    %mul3A_31 = arith.constant 32 : i32
    %mul3A_32 = arith.muli %select_n3A_30, %mul3A_31 : i32
    %mul3A_33 = arith.constant 4096 : i32
    %mul3A_34 = arith.muli %select_n3A, %mul3A_33 : i32
    "tpu.region"() ({
      %run_scoped3A = tpu.sem_alloc : memref<!tpu.dma_semaphore, #tpu.memory_space<semaphore_mem>>
      %dma_start3A_122 = tpu.memref_slice %arg4[%mul3A_34] : memref<32768xf32, #tpu.memory_space<hbm>> -> memref<4096xf32, #tpu.memory_space<hbm>>
      %dma_start3A_123 = tpu.memref_slice %arg4[%mul3A_34] : memref<32768xf32, #tpu.memory_space<hbm>> -> memref<4096xf32, #tpu.memory_space<hbm>>
      tpu.enqueue_dma source(%dma_start3A_123 : memref<4096xf32, #tpu.memory_space<hbm>>) target(%arg7 : memref<4096xf32, #tpu.memory_space<vmem>>) target_semaphore(%run_scoped3A : memref<!tpu.dma_semaphore, #tpu.memory_space<semaphore_mem>>)
      %dma_wait3A_124 = tpu.memref_slice %arg4[%mul3A_34] : memref<32768xf32, #tpu.memory_space<hbm>> -> memref<4096xf32, #tpu.memory_space<hbm>>
      %dma_wait3A_125 = tpu.memref_slice %arg4[%mul3A_34] : memref<32768xf32, #tpu.memory_space<hbm>> -> memref<4096xf32, #tpu.memory_space<hbm>>
      tpu.wait_dma2 semaphore(%run_scoped3A : memref<!tpu.dma_semaphore, #tpu.memory_space<semaphore_mem>>) src(%dma_wait3A_125 : memref<4096xf32, #tpu.memory_space<hbm>>) dst(%arg7 : memref<4096xf32, #tpu.memory_space<vmem>>)
      tpu.yield
    }) : () -> ()
    %add3A_35 = arith.constant 0 : i32
    %add3A_36 = arith.addi %mul3A_32, %add3A_35 : i32
    %dma_start3A = tpu.memref_slice %arg2[%add3A_36, %mul3A_34] : memref<128x32768xf32, #tpu.memory_space<hbm>> -> memref<1x4096xf32, #tpu.memory_space<hbm>>
    %dma_start3A_37 = tpu.memref_squeeze %dma_start3A : memref<1x4096xf32, #tpu.memory_space<hbm>> -> memref<4096xf32, #tpu.memory_space<hbm>>
    %dma_start3A_38 = tpu.memref_slice %arg2[%add3A_36, %mul3A_34] : memref<128x32768xf32, #tpu.memory_space<hbm>> -> memref<1x4096xf32, #tpu.memory_space<hbm>>
    %dma_start3A_39 = tpu.memref_squeeze %dma_start3A_38 : memref<1x4096xf32, #tpu.memory_space<hbm>> -> memref<4096xf32, #tpu.memory_space<hbm>>
    tpu.enqueue_dma source(%dma_start3A_39 : memref<4096xf32, #tpu.memory_space<hbm>>) target(%arg8 : memref<4096xf32, #tpu.memory_space<vmem>>) target_semaphore(%arg24 : memref<!tpu.dma_semaphore, #tpu.memory_space<semaphore_mem>>)
    %add3A_40 = arith.constant 0 : i32
    %add3A_41 = arith.addi %mul3A_32, %add3A_40 : i32
    %dma_start3A_42 = tpu.memref_slice %arg3[%add3A_41, %mul3A_34] : memref<128x32768xf32, #tpu.memory_space<hbm>> -> memref<1x4096xf32, #tpu.memory_space<hbm>>
    %dma_start3A_43 = tpu.memref_squeeze %dma_start3A_42 : memref<1x4096xf32, #tpu.memory_space<hbm>> -> memref<4096xf32, #tpu.memory_space<hbm>>
    %dma_start3A_44 = tpu.memref_slice %arg3[%add3A_41, %mul3A_34] : memref<128x32768xf32, #tpu.memory_space<hbm>> -> memref<1x4096xf32, #tpu.memory_space<hbm>>
    %dma_start3A_45 = tpu.memref_squeeze %dma_start3A_44 : memref<1x4096xf32, #tpu.memory_space<hbm>> -> memref<4096xf32, #tpu.memory_space<hbm>>
    tpu.enqueue_dma source(%dma_start3A_45 : memref<4096xf32, #tpu.memory_space<hbm>>) target(%arg12 : memref<4096xf32, #tpu.memory_space<vmem>>) target_semaphore(%arg24 : memref<!tpu.dma_semaphore, #tpu.memory_space<semaphore_mem>>)
    %add3A_46 = arith.constant 1 : i32
    %add3A_47 = arith.addi %mul3A_32, %add3A_46 : i32
    %dma_start3A_48 = tpu.memref_slice %arg2[%add3A_47, %mul3A_34] : memref<128x32768xf32, #tpu.memory_space<hbm>> -> memref<1x4096xf32, #tpu.memory_space<hbm>>
    %dma_start3A_49 = tpu.memref_squeeze %dma_start3A_48 : memref<1x4096xf32, #tpu.memory_space<hbm>> -> memref<4096xf32, #tpu.memory_space<hbm>>
    %dma_start3A_50 = tpu.memref_slice %arg2[%add3A_47, %mul3A_34] : memref<128x32768xf32, #tpu.memory_space<hbm>> -> memref<1x4096xf32, #tpu.memory_space<hbm>>
    %dma_start3A_51 = tpu.memref_squeeze %dma_start3A_50 : memref<1x4096xf32, #tpu.memory_space<hbm>> -> memref<4096xf32, #tpu.memory_space<hbm>>
    tpu.enqueue_dma source(%dma_start3A_51 : memref<4096xf32, #tpu.memory_space<hbm>>) target(%arg9 : memref<4096xf32, #tpu.memory_space<vmem>>) target_semaphore(%arg25 : memref<!tpu.dma_semaphore, #tpu.memory_space<semaphore_mem>>)
    %add3A_52 = arith.constant 1 : i32
    %add3A_53 = arith.addi %mul3A_32, %add3A_52 : i32
    %dma_start3A_54 = tpu.memref_slice %arg3[%add3A_53, %mul3A_34] : memref<128x32768xf32, #tpu.memory_space<hbm>> -> memref<1x4096xf32, #tpu.memory_space<hbm>>
    %dma_start3A_55 = tpu.memref_squeeze %dma_start3A_54 : memref<1x4096xf32, #tpu.memory_space<hbm>> -> memref<4096xf32, #tpu.memory_space<hbm>>
    %dma_start3A_56 = tpu.memref_slice %arg3[%add3A_53, %mul3A_34] : memref<128x32768xf32, #tpu.memory_space<hbm>> -> memref<1x4096xf32, #tpu.memory_space<hbm>>
    %dma_start3A_57 = tpu.memref_squeeze %dma_start3A_56 : memref<1x4096xf32, #tpu.memory_space<hbm>> -> memref<4096xf32, #tpu.memory_space<hbm>>
    tpu.enqueue_dma source(%dma_start3A_57 : memref<4096xf32, #tpu.memory_space<hbm>>) target(%arg13 : memref<4096xf32, #tpu.memory_space<vmem>>) target_semaphore(%arg25 : memref<!tpu.dma_semaphore, #tpu.memory_space<semaphore_mem>>)
    %add3A_58 = arith.constant 2 : i32
    %add3A_59 = arith.addi %mul3A_32, %add3A_58 : i32
    %dma_start3A_60 = tpu.memref_slice %arg2[%add3A_59, %mul3A_34] : memref<128x32768xf32, #tpu.memory_space<hbm>> -> memref<1x4096xf32, #tpu.memory_space<hbm>>
    %dma_start3A_61 = tpu.memref_squeeze %dma_start3A_60 : memref<1x4096xf32, #tpu.memory_space<hbm>> -> memref<4096xf32, #tpu.memory_space<hbm>>
    %dma_start3A_62 = tpu.memref_slice %arg2[%add3A_59, %mul3A_34] : memref<128x32768xf32, #tpu.memory_space<hbm>> -> memref<1x4096xf32, #tpu.memory_space<hbm>>
    %dma_start3A_63 = tpu.memref_squeeze %dma_start3A_62 : memref<1x4096xf32, #tpu.memory_space<hbm>> -> memref<4096xf32, #tpu.memory_space<hbm>>
    tpu.enqueue_dma source(%dma_start3A_63 : memref<4096xf32, #tpu.memory_space<hbm>>) target(%arg10 : memref<4096xf32, #tpu.memory_space<vmem>>) target_semaphore(%arg26 : memref<!tpu.dma_semaphore, #tpu.memory_space<semaphore_mem>>)
    %add3A_64 = arith.constant 2 : i32
    %add3A_65 = arith.addi %mul3A_32, %add3A_64 : i32
    %dma_start3A_66 = tpu.memref_slice %arg3[%add3A_65, %mul3A_34] : memref<128x32768xf32, #tpu.memory_space<hbm>> -> memref<1x4096xf32, #tpu.memory_space<hbm>>
    %dma_start3A_67 = tpu.memref_squeeze %dma_start3A_66 : memref<1x4096xf32, #tpu.memory_space<hbm>> -> memref<4096xf32, #tpu.memory_space<hbm>>
    %dma_start3A_68 = tpu.memref_slice %arg3[%add3A_65, %mul3A_34] : memref<128x32768xf32, #tpu.memory_space<hbm>> -> memref<1x4096xf32, #tpu.memory_space<hbm>>
    %dma_start3A_69 = tpu.memref_squeeze %dma_start3A_68 : memref<1x4096xf32, #tpu.memory_space<hbm>> -> memref<4096xf32, #tpu.memory_space<hbm>>
    tpu.enqueue_dma source(%dma_start3A_69 : memref<4096xf32, #tpu.memory_space<hbm>>) target(%arg14 : memref<4096xf32, #tpu.memory_space<vmem>>) target_semaphore(%arg26 : memref<!tpu.dma_semaphore, #tpu.memory_space<semaphore_mem>>)
    %scan3A = arith.constant 0 : i32
    %scan3A_70 = arith.constant 0 : i32
    %scan3A_71 = arith.constant 8 : i32
    %scan3A_72 = arith.addi %scan3A_70, %scan3A_71 : i32
    %scan3A_73 = arith.constant 1 : i32
    scf.for %scan3A_122 = %scan3A_70 to %scan3A_72 step %scan3A_73  : i32 {
      %mul3A_123 = arith.constant 4 : i32
      %mul3A_124 = arith.muli %scan3A_122, %mul3A_123 : i32
      %add3A_125 = arith.constant 0 : i32
      %add3A_126 = arith.addi %mul3A_124, %add3A_125 : i32
      %add3A_127 = arith.constant 4 : i32
      %add3A_128 = arith.addi %add3A_126, %add3A_127 : i32
      %sub3A_129 = arith.constant 1 : i32
      %sub3A_130 = arith.subi %add3A_128, %sub3A_129 : i32
      %lt3A_131 = arith.constant 32 : i32
      %lt3A_132 = arith.cmpi slt, %sub3A_130, %lt3A_131 : i32
      %convert_element_type3A = arith.extui %lt3A_132 : i1 to i32
      %cond3A = arith.constant 0 : i32
      %cond3A_133 = arith.cmpi ne, %convert_element_type3A, %cond3A : i32
      scf.if %cond3A_133 {
        %add3A_359 = arith.constant 4 : i32
        %add3A_360 = arith.addi %add3A_126, %add3A_359 : i32
        %sub3A_361 = arith.constant 1 : i32
        %sub3A_362 = arith.subi %add3A_360, %sub3A_361 : i32
        %add3A_363 = arith.addi %mul3A_32, %sub3A_362 : i32
        %dma_start3A_364 = tpu.memref_slice %arg2[%add3A_363, %mul3A_34] : memref<128x32768xf32, #tpu.memory_space<hbm>> -> memref<1x4096xf32, #tpu.memory_space<hbm>>
        %dma_start3A_365 = tpu.memref_squeeze %dma_start3A_364 : memref<1x4096xf32, #tpu.memory_space<hbm>> -> memref<4096xf32, #tpu.memory_space<hbm>>
        %dma_start3A_366 = tpu.memref_slice %arg2[%add3A_363, %mul3A_34] : memref<128x32768xf32, #tpu.memory_space<hbm>> -> memref<1x4096xf32, #tpu.memory_space<hbm>>
        %dma_start3A_367 = tpu.memref_squeeze %dma_start3A_366 : memref<1x4096xf32, #tpu.memory_space<hbm>> -> memref<4096xf32, #tpu.memory_space<hbm>>
        tpu.enqueue_dma source(%dma_start3A_367 : memref<4096xf32, #tpu.memory_space<hbm>>) target(%arg11 : memref<4096xf32, #tpu.memory_space<vmem>>) target_semaphore(%arg27 : memref<!tpu.dma_semaphore, #tpu.memory_space<semaphore_mem>>)
        %add3A_368 = arith.addi %mul3A_32, %sub3A_362 : i32
        %dma_start3A_369 = tpu.memref_slice %arg3[%add3A_368, %mul3A_34] : memref<128x32768xf32, #tpu.memory_space<hbm>> -> memref<1x4096xf32, #tpu.memory_space<hbm>>
        %dma_start3A_370 = tpu.memref_squeeze %dma_start3A_369 : memref<1x4096xf32, #tpu.memory_space<hbm>> -> memref<4096xf32, #tpu.memory_space<hbm>>
        %dma_start3A_371 = tpu.memref_slice %arg3[%add3A_368, %mul3A_34] : memref<128x32768xf32, #tpu.memory_space<hbm>> -> memref<1x4096xf32, #tpu.memory_space<hbm>>
        %dma_start3A_372 = tpu.memref_squeeze %dma_start3A_371 : memref<1x4096xf32, #tpu.memory_space<hbm>> -> memref<4096xf32, #tpu.memory_space<hbm>>
        tpu.enqueue_dma source(%dma_start3A_372 : memref<4096xf32, #tpu.memory_space<hbm>>) target(%arg15 : memref<4096xf32, #tpu.memory_space<vmem>>) target_semaphore(%arg27 : memref<!tpu.dma_semaphore, #tpu.memory_space<semaphore_mem>>)
      } else {
      }
      %add3A_134 = arith.constant 0 : i32
      %add3A_135 = arith.addi %mul3A_32, %add3A_134 : i32
      %dma_wait3A_136 = tpu.memref_slice %arg2[%add3A_135, %mul3A_34] : memref<128x32768xf32, #tpu.memory_space<hbm>> -> memref<1x4096xf32, #tpu.memory_space<hbm>>
      %dma_wait3A_137 = tpu.memref_squeeze %dma_wait3A_136 : memref<1x4096xf32, #tpu.memory_space<hbm>> -> memref<4096xf32, #tpu.memory_space<hbm>>
      %dma_wait3A_138 = tpu.memref_slice %arg2[%add3A_135, %mul3A_34] : memref<128x32768xf32, #tpu.memory_space<hbm>> -> memref<1x4096xf32, #tpu.memory_space<hbm>>
      %dma_wait3A_139 = tpu.memref_squeeze %dma_wait3A_138 : memref<1x4096xf32, #tpu.memory_space<hbm>> -> memref<4096xf32, #tpu.memory_space<hbm>>
      tpu.wait_dma2 semaphore(%arg24 : memref<!tpu.dma_semaphore, #tpu.memory_space<semaphore_mem>>) src(%dma_wait3A_139 : memref<4096xf32, #tpu.memory_space<hbm>>) dst(%arg8 : memref<4096xf32, #tpu.memory_space<vmem>>)
      %add3A_140 = arith.constant 0 : i32
      %add3A_141 = arith.addi %mul3A_32, %add3A_140 : i32
      %dma_wait3A_142 = tpu.memref_slice %arg3[%add3A_141, %mul3A_34] : memref<128x32768xf32, #tpu.memory_space<hbm>> -> memref<1x4096xf32, #tpu.memory_space<hbm>>
      %dma_wait3A_143 = tpu.memref_squeeze %dma_wait3A_142 : memref<1x4096xf32, #tpu.memory_space<hbm>> -> memref<4096xf32, #tpu.memory_space<hbm>>
      %dma_wait3A_144 = tpu.memref_slice %arg3[%add3A_141, %mul3A_34] : memref<128x32768xf32, #tpu.memory_space<hbm>> -> memref<1x4096xf32, #tpu.memory_space<hbm>>
      %dma_wait3A_145 = tpu.memref_squeeze %dma_wait3A_144 : memref<1x4096xf32, #tpu.memory_space<hbm>> -> memref<4096xf32, #tpu.memory_space<hbm>>
      tpu.wait_dma2 semaphore(%arg24 : memref<!tpu.dma_semaphore, #tpu.memory_space<semaphore_mem>>) src(%dma_wait3A_145 : memref<4096xf32, #tpu.memory_space<hbm>>) dst(%arg12 : memref<4096xf32, #tpu.memory_space<vmem>>)
      %ge3A = arith.constant 4 : i32
      %ge3A_146 = arith.cmpi sge, %add3A_126, %ge3A : i32
      %convert_element_type3A_147 = arith.extui %ge3A_146 : i1 to i32
      %cond3A_148 = arith.constant 0 : i32
      %cond3A_149 = arith.cmpi ne, %convert_element_type3A_147, %cond3A_148 : i32
      scf.if %cond3A_149 {
        %add3A_359 = arith.constant 0 : i32
        %add3A_360 = arith.addi %mul3A_32, %add3A_359 : i32
        %dma_wait3A_361 = tpu.memref_slice %arg5[%add3A_360, %mul3A_34] : memref<128x32768xf32, #tpu.memory_space<hbm>> -> memref<1x4096xf32, #tpu.memory_space<hbm>>
        %dma_wait3A_362 = tpu.memref_squeeze %dma_wait3A_361 : memref<1x4096xf32, #tpu.memory_space<hbm>> -> memref<4096xf32, #tpu.memory_space<hbm>>
        %dma_wait3A_363 = tpu.memref_slice %arg5[%add3A_360, %mul3A_34] : memref<128x32768xf32, #tpu.memory_space<hbm>> -> memref<1x4096xf32, #tpu.memory_space<hbm>>
        %dma_wait3A_364 = tpu.memref_squeeze %dma_wait3A_363 : memref<1x4096xf32, #tpu.memory_space<hbm>> -> memref<4096xf32, #tpu.memory_space<hbm>>
        tpu.wait_dma2 semaphore(%arg28 : memref<!tpu.dma_semaphore, #tpu.memory_space<semaphore_mem>>) src(%arg16 : memref<4096xf32, #tpu.memory_space<vmem>>) dst(%dma_wait3A_364 : memref<4096xf32, #tpu.memory_space<hbm>>)
        %add3A_365 = arith.constant 0 : i32
        %add3A_366 = arith.addi %mul3A_32, %add3A_365 : i32
        %dma_wait3A_367 = tpu.memref_slice %arg6[%add3A_366, %mul3A_34] : memref<128x32768xf32, #tpu.memory_space<hbm>> -> memref<1x4096xf32, #tpu.memory_space<hbm>>
        %dma_wait3A_368 = tpu.memref_squeeze %dma_wait3A_367 : memref<1x4096xf32, #tpu.memory_space<hbm>> -> memref<4096xf32, #tpu.memory_space<hbm>>
        %dma_wait3A_369 = tpu.memref_slice %arg6[%add3A_366, %mul3A_34] : memref<128x32768xf32, #tpu.memory_space<hbm>> -> memref<1x4096xf32, #tpu.memory_space<hbm>>
        %dma_wait3A_370 = tpu.memref_squeeze %dma_wait3A_369 : memref<1x4096xf32, #tpu.memory_space<hbm>> -> memref<4096xf32, #tpu.memory_space<hbm>>
        tpu.wait_dma2 semaphore(%arg28 : memref<!tpu.dma_semaphore, #tpu.memory_space<semaphore_mem>>) src(%arg20 : memref<4096xf32, #tpu.memory_space<vmem>>) dst(%dma_wait3A_370 : memref<4096xf32, #tpu.memory_space<hbm>>)
      } else {
      }
      %broadcast_in_dim3A = arith.constant 0.000000e+00 : f32
      %broadcast_in_dim3A_150 = vector.broadcast %broadcast_in_dim3A : f32 to vector<16xf32>
      %parallel_loop3A = arith.constant 0 : i32
      %parallel_loop3A_151 = arith.constant 4096 : i32
      %parallel_loop3A_152 = arith.constant 16 : i32
      %parallel_loop3A_153 = scf.for %parallel_loop3A_359 = %parallel_loop3A to %parallel_loop3A_151 step %parallel_loop3A_152 iter_args(%parallel_loop3A_360 = %broadcast_in_dim3A_150) -> (vector<16xf32>)  : i32 {
        %parallel_loop3A_361 = arith.index_cast %parallel_loop3A_359 : i32 to index
        %parallel_loop3A_362 = tpu.vector_load %arg7[%parallel_loop3A_361] {strides = array<i32>} : memref<4096xf32, #tpu.memory_space<vmem>>, vector<16xf32>,
        %parallel_loop3A_363 = arith.index_cast %parallel_loop3A_359 : i32 to index
        %parallel_loop3A_364 = tpu.vector_load %arg12[%parallel_loop3A_363] {strides = array<i32>} : memref<4096xf32, #tpu.memory_space<vmem>>, vector<16xf32>,
        %parallel_loop3A_365 = arith.mulf %parallel_loop3A_362, %parallel_loop3A_364 : vector<16xf32>
        %parallel_loop3A_366 = arith.index_cast %parallel_loop3A_359 : i32 to index
        %parallel_loop3A_367 = tpu.vector_load %arg8[%parallel_loop3A_366] {strides = array<i32>} : memref<4096xf32, #tpu.memory_space<vmem>>, vector<16xf32>,
        %parallel_loop3A_368 = arith.addf %parallel_loop3A_365, %parallel_loop3A_367 : vector<16xf32>
        %parallel_loop3A_369 = arith.constant 1.000000e+00 : f32
        %parallel_loop3A_370 = vector.broadcast %parallel_loop3A_369 : f32 to vector<16xf32>
        %parallel_loop3A_371 = arith.cmpf oge, %parallel_loop3A_368, %parallel_loop3A_370 : vector<16xf32>
        %parallel_loop3A_372 = arith.constant 1.000000e+00 : f32
        %parallel_loop3A_373 = arith.constant 0.000000e+00 : f32
        %parallel_loop3A_374 = vector.broadcast %parallel_loop3A_372 : f32 to vector<16xf32>
        %parallel_loop3A_375 = vector.broadcast %parallel_loop3A_373 : f32 to vector<16xf32>
        %parallel_loop3A_376 = arith.select %parallel_loop3A_371, %parallel_loop3A_374, %parallel_loop3A_375 : vector<16xi1>, vector<16xf32>
        %parallel_loop3A_377 = arith.subf %parallel_loop3A_368, %parallel_loop3A_376 : vector<16xf32>
        %parallel_loop3A_378 = arith.index_cast %parallel_loop3A_359 : i32 to index
        %parallel_loop3A_379 = tpu.vector_load %arg16[%parallel_loop3A_378] {strides = array<i32>} : memref<4096xf32, #tpu.memory_space<vmem>>, vector<16xf32>,
        tpu.vector_store %arg16[%parallel_loop3A_378], %parallel_loop3A_377 {strides = array<i32>} : memref<4096xf32, #tpu.memory_space<vmem>>, vector<16xf32>,
        %parallel_loop3A_380 = arith.index_cast %parallel_loop3A_359 : i32 to index
        %parallel_loop3A_381 = tpu.vector_load %arg20[%parallel_loop3A_380] {strides = array<i32>} : memref<4096xf32, #tpu.memory_space<vmem>>, vector<16xf32>,
        tpu.vector_store %arg20[%parallel_loop3A_380], %parallel_loop3A_376 {strides = array<i32>} : memref<4096xf32, #tpu.memory_space<vmem>>, vector<16xf32>,
        %parallel_loop3A_382 = arith.maximumf %parallel_loop3A_360, %parallel_loop3A_376 : vector<16xf32>
        scf.yield %parallel_loop3A_382 : vector<16xf32>
      } {sc.loop_unroll_factor = 8 : i64, sc.parallel_access}
      %broadcast_in_dim3A_154 = arith.constant true
      %broadcast_in_dim3A_155 = vector.broadcast %broadcast_in_dim3A_154 : i1 to vector<16xi1>
      %masked_cummax3A = tpu.scan <max>, %parallel_loop3A_153 masked %broadcast_in_dim3A_155 : vector<16xf32>, vector<16xi1> -> vector<16xf32>
      %rev3A = arith.constant 15 : i32
      %rev3A_156 = vector.broadcast %rev3A : i32 to vector<16xi32>
      %rev3A_157 = tpu.iota {dimensions = array<i32: 0>} : vector<16xi32>
      %rev3A_158 = arith.subi %rev3A_156, %rev3A_157 : vector<16xi32>
      %rev3A_159 = tpu.dynamic_gather %masked_cummax3A[%rev3A_158] in [0] : vector<16xf32>, vector<16xi32> -> vector<16xf32>
      %max3A = arith.maximumf %masked_cummax3A, %rev3A_159 : vector<16xf32>
      %broadcast_in_dim3A_160 = arith.constant true
      %broadcast_in_dim3A_161 = vector.broadcast %broadcast_in_dim3A_160 : i1 to vector<16xi1>
      %masked_cummax3A_162 = tpu.scan <max>, %max3A masked %broadcast_in_dim3A_161 : vector<16xf32>, vector<16xi1> -> vector<16xf32>
      %parallel_loop3A_163 = arith.constant 0 : i32
      %parallel_loop3A_164 = arith.constant 4096 : i32
      %parallel_loop3A_165 = arith.constant 16 : i32
      scf.for %parallel_loop3A_359 = %parallel_loop3A_163 to %parallel_loop3A_164 step %parallel_loop3A_165  : i32 {
        %parallel_loop3A_360 = arith.index_cast %parallel_loop3A_359 : i32 to index
        %parallel_loop3A_361 = tpu.vector_load %arg20[%parallel_loop3A_360] {strides = array<i32>} : memref<4096xf32, #tpu.memory_space<vmem>>, vector<16xf32>,
        %parallel_loop3A_362 = arith.cmpf oge, %parallel_loop3A_361, %masked_cummax3A_162 : vector<16xf32>
        %parallel_loop3A_363 = arith.constant 0.000000e+00 : f32
        %parallel_loop3A_364 = vector.broadcast %parallel_loop3A_363 : f32 to vector<16xf32>
        %parallel_loop3A_365 = arith.select %parallel_loop3A_362, %parallel_loop3A_361, %parallel_loop3A_364 : vector<16xi1>, vector<16xf32>
        %parallel_loop3A_366 = arith.index_cast %parallel_loop3A_359 : i32 to index
        %parallel_loop3A_367 = tpu.vector_load %arg20[%parallel_loop3A_366] {strides = array<i32>} : memref<4096xf32, #tpu.memory_space<vmem>>, vector<16xf32>,
        tpu.vector_store %arg20[%parallel_loop3A_366], %parallel_loop3A_365 {strides = array<i32>} : memref<4096xf32, #tpu.memory_space<vmem>>, vector<16xf32>,
      } {sc.loop_unroll_factor = 8 : i64, sc.parallel_access}
      %add3A_166 = arith.addi %mul3A_32, %add3A_126 : i32
      %dma_start3A_167 = tpu.memref_slice %arg5[%add3A_166, %mul3A_34] : memref<128x32768xf32, #tpu.memory_space<hbm>> -> memref<1x4096xf32, #tpu.memory_space<hbm>>
      %dma_start3A_168 = tpu.memref_squeeze %dma_start3A_167 : memref<1x4096xf32, #tpu.memory_space<hbm>> -> memref<4096xf32, #tpu.memory_space<hbm>>
      %dma_start3A_169 = tpu.memref_slice %arg5[%add3A_166, %mul3A_34] : memref<128x32768xf32, #tpu.memory_space<hbm>> -> memref<1x4096xf32, #tpu.memory_space<hbm>>
      %dma_start3A_170 = tpu.memref_squeeze %dma_start3A_169 : memref<1x4096xf32, #tpu.memory_space<hbm>> -> memref<4096xf32, #tpu.memory_space<hbm>>
      tpu.enqueue_dma source(%arg16 : memref<4096xf32, #tpu.memory_space<vmem>>) target(%dma_start3A_170 : memref<4096xf32, #tpu.memory_space<hbm>>) target_semaphore(%arg28 : memref<!tpu.dma_semaphore, #tpu.memory_space<semaphore_mem>>)
      %add3A_171 = arith.addi %mul3A_32, %add3A_126 : i32
      %dma_start3A_172 = tpu.memref_slice %arg6[%add3A_171, %mul3A_34] : memref<128x32768xf32, #tpu.memory_space<hbm>> -> memref<1x4096xf32, #tpu.memory_space<hbm>>
      %dma_start3A_173 = tpu.memref_squeeze %dma_start3A_172 : memref<1x4096xf32, #tpu.memory_space<hbm>> -> memref<4096xf32, #tpu.memory_space<hbm>>
      %dma_start3A_174 = tpu.memref_slice %arg6[%add3A_171, %mul3A_34] : memref<128x32768xf32, #tpu.memory_space<hbm>> -> memref<1x4096xf32, #tpu.memory_space<hbm>>
      %dma_start3A_175 = tpu.memref_squeeze %dma_start3A_174 : memref<1x4096xf32, #tpu.memory_space<hbm>> -> memref<4096xf32, #tpu.memory_space<hbm>>
      tpu.enqueue_dma source(%arg20 : memref<4096xf32, #tpu.memory_space<vmem>>) target(%dma_start3A_175 : memref<4096xf32, #tpu.memory_space<hbm>>) target_semaphore(%arg28 : memref<!tpu.dma_semaphore, #tpu.memory_space<semaphore_mem>>)
      %mul3A_176 = arith.constant 4 : i32
      %mul3A_177 = arith.muli %scan3A_122, %mul3A_176 : i32
      %add3A_178 = arith.constant 1 : i32
      %add3A_179 = arith.addi %mul3A_177, %add3A_178 : i32
      %add3A_180 = arith.constant 4 : i32
      %add3A_181 = arith.addi %add3A_179, %add3A_180 : i32
      %sub3A_182 = arith.constant 1 : i32
      %sub3A_183 = arith.subi %add3A_181, %sub3A_182 : i32
      %lt3A_184 = arith.constant 32 : i32
      %lt3A_185 = arith.cmpi slt, %sub3A_183, %lt3A_184 : i32
      %convert_element_type3A_186 = arith.extui %lt3A_185 : i1 to i32
      %cond3A_187 = arith.constant 0 : i32
      %cond3A_188 = arith.cmpi ne, %convert_element_type3A_186, %cond3A_187 : i32
      scf.if %cond3A_188 {
        %add3A_359 = arith.constant 4 : i32
        %add3A_360 = arith.addi %add3A_179, %add3A_359 : i32
        %sub3A_361 = arith.constant 1 : i32
        %sub3A_362 = arith.subi %add3A_360, %sub3A_361 : i32
        %add3A_363 = arith.addi %mul3A_32, %sub3A_362 : i32
        %dma_start3A_364 = tpu.memref_slice %arg2[%add3A_363, %mul3A_34] : memref<128x32768xf32, #tpu.memory_space<hbm>> -> memref<1x4096xf32, #tpu.memory_space<hbm>>
        %dma_start3A_365 = tpu.memref_squeeze %dma_start3A_364 : memref<1x4096xf32, #tpu.memory_space<hbm>> -> memref<4096xf32, #tpu.memory_space<hbm>>
        %dma_start3A_366 = tpu.memref_slice %arg2[%add3A_363, %mul3A_34] : memref<128x32768xf32, #tpu.memory_space<hbm>> -> memref<1x4096xf32, #tpu.memory_space<hbm>>
        %dma_start3A_367 = tpu.memref_squeeze %dma_start3A_366 : memref<1x4096xf32, #tpu.memory_space<hbm>> -> memref<4096xf32, #tpu.memory_space<hbm>>
        tpu.enqueue_dma source(%dma_start3A_367 : memref<4096xf32, #tpu.memory_space<hbm>>) target(%arg8 : memref<4096xf32, #tpu.memory_space<vmem>>) target_semaphore(%arg24 : memref<!tpu.dma_semaphore, #tpu.memory_space<semaphore_mem>>)
        %add3A_368 = arith.addi %mul3A_32, %sub3A_362 : i32
        %dma_start3A_369 = tpu.memref_slice %arg3[%add3A_368, %mul3A_34] : memref<128x32768xf32, #tpu.memory_space<hbm>> -> memref<1x4096xf32, #tpu.memory_space<hbm>>
        %dma_start3A_370 = tpu.memref_squeeze %dma_start3A_369 : memref<1x4096xf32, #tpu.memory_space<hbm>> -> memref<4096xf32, #tpu.memory_space<hbm>>
        %dma_start3A_371 = tpu.memref_slice %arg3[%add3A_368, %mul3A_34] : memref<128x32768xf32, #tpu.memory_space<hbm>> -> memref<1x4096xf32, #tpu.memory_space<hbm>>
        %dma_start3A_372 = tpu.memref_squeeze %dma_start3A_371 : memref<1x4096xf32, #tpu.memory_space<hbm>> -> memref<4096xf32, #tpu.memory_space<hbm>>
        tpu.enqueue_dma source(%dma_start3A_372 : memref<4096xf32, #tpu.memory_space<hbm>>) target(%arg12 : memref<4096xf32, #tpu.memory_space<vmem>>) target_semaphore(%arg24 : memref<!tpu.dma_semaphore, #tpu.memory_space<semaphore_mem>>)
      } else {
      }
      %add3A_189 = arith.constant 0 : i32
      %add3A_190 = arith.addi %mul3A_32, %add3A_189 : i32
      %dma_wait3A_191 = tpu.memref_slice %arg2[%add3A_190, %mul3A_34] : memref<128x32768xf32, #tpu.memory_space<hbm>> -> memref<1x4096xf32, #tpu.memory_space<hbm>>
      %dma_wait3A_192 = tpu.memref_squeeze %dma_wait3A_191 : memref<1x4096xf32, #tpu.memory_space<hbm>> -> memref<4096xf32, #tpu.memory_space<hbm>>
      %dma_wait3A_193 = tpu.memref_slice %arg2[%add3A_190, %mul3A_34] : memref<128x32768xf32, #tpu.memory_space<hbm>> -> memref<1x4096xf32, #tpu.memory_space<hbm>>
      %dma_wait3A_194 = tpu.memref_squeeze %dma_wait3A_193 : memref<1x4096xf32, #tpu.memory_space<hbm>> -> memref<4096xf32, #tpu.memory_space<hbm>>
      tpu.wait_dma2 semaphore(%arg25 : memref<!tpu.dma_semaphore, #tpu.memory_space<semaphore_mem>>) src(%dma_wait3A_194 : memref<4096xf32, #tpu.memory_space<hbm>>) dst(%arg9 : memref<4096xf32, #tpu.memory_space<vmem>>)
      %add3A_195 = arith.constant 0 : i32
      %add3A_196 = arith.addi %mul3A_32, %add3A_195 : i32
      %dma_wait3A_197 = tpu.memref_slice %arg3[%add3A_196, %mul3A_34] : memref<128x32768xf32, #tpu.memory_space<hbm>> -> memref<1x4096xf32, #tpu.memory_space<hbm>>
      %dma_wait3A_198 = tpu.memref_squeeze %dma_wait3A_197 : memref<1x4096xf32, #tpu.memory_space<hbm>> -> memref<4096xf32, #tpu.memory_space<hbm>>
      %dma_wait3A_199 = tpu.memref_slice %arg3[%add3A_196, %mul3A_34] : memref<128x32768xf32, #tpu.memory_space<hbm>> -> memref<1x4096xf32, #tpu.memory_space<hbm>>
      %dma_wait3A_200 = tpu.memref_squeeze %dma_wait3A_199 : memref<1x4096xf32, #tpu.memory_space<hbm>> -> memref<4096xf32, #tpu.memory_space<hbm>>
      tpu.wait_dma2 semaphore(%arg25 : memref<!tpu.dma_semaphore, #tpu.memory_space<semaphore_mem>>) src(%dma_wait3A_200 : memref<4096xf32, #tpu.memory_space<hbm>>) dst(%arg13 : memref<4096xf32, #tpu.memory_space<vmem>>)
      %ge3A_201 = arith.constant 4 : i32
      %ge3A_202 = arith.cmpi sge, %add3A_179, %ge3A_201 : i32
      %convert_element_type3A_203 = arith.extui %ge3A_202 : i1 to i32
      %cond3A_204 = arith.constant 0 : i32
      %cond3A_205 = arith.cmpi ne, %convert_element_type3A_203, %cond3A_204 : i32
      scf.if %cond3A_205 {
        %add3A_359 = arith.constant 0 : i32
        %add3A_360 = arith.addi %mul3A_32, %add3A_359 : i32
        %dma_wait3A_361 = tpu.memref_slice %arg5[%add3A_360, %mul3A_34] : memref<128x32768xf32, #tpu.memory_space<hbm>> -> memref<1x4096xf32, #tpu.memory_space<hbm>>
        %dma_wait3A_362 = tpu.memref_squeeze %dma_wait3A_361 : memref<1x4096xf32, #tpu.memory_space<hbm>> -> memref<4096xf32, #tpu.memory_space<hbm>>
        %dma_wait3A_363 = tpu.memref_slice %arg5[%add3A_360, %mul3A_34] : memref<128x32768xf32, #tpu.memory_space<hbm>> -> memref<1x4096xf32, #tpu.memory_space<hbm>>
        %dma_wait3A_364 = tpu.memref_squeeze %dma_wait3A_363 : memref<1x4096xf32, #tpu.memory_space<hbm>> -> memref<4096xf32, #tpu.memory_space<hbm>>
        tpu.wait_dma2 semaphore(%arg29 : memref<!tpu.dma_semaphore, #tpu.memory_space<semaphore_mem>>) src(%arg17 : memref<4096xf32, #tpu.memory_space<vmem>>) dst(%dma_wait3A_364 : memref<4096xf32, #tpu.memory_space<hbm>>)
        %add3A_365 = arith.constant 0 : i32
        %add3A_366 = arith.addi %mul3A_32, %add3A_365 : i32
        %dma_wait3A_367 = tpu.memref_slice %arg6[%add3A_366, %mul3A_34] : memref<128x32768xf32, #tpu.memory_space<hbm>> -> memref<1x4096xf32, #tpu.memory_space<hbm>>
        %dma_wait3A_368 = tpu.memref_squeeze %dma_wait3A_367 : memref<1x4096xf32, #tpu.memory_space<hbm>> -> memref<4096xf32, #tpu.memory_space<hbm>>
        %dma_wait3A_369 = tpu.memref_slice %arg6[%add3A_366, %mul3A_34] : memref<128x32768xf32, #tpu.memory_space<hbm>> -> memref<1x4096xf32, #tpu.memory_space<hbm>>
        %dma_wait3A_370 = tpu.memref_squeeze %dma_wait3A_369 : memref<1x4096xf32, #tpu.memory_space<hbm>> -> memref<4096xf32, #tpu.memory_space<hbm>>
        tpu.wait_dma2 semaphore(%arg29 : memref<!tpu.dma_semaphore, #tpu.memory_space<semaphore_mem>>) src(%arg21 : memref<4096xf32, #tpu.memory_space<vmem>>) dst(%dma_wait3A_370 : memref<4096xf32, #tpu.memory_space<hbm>>)
      } else {
      }
      %broadcast_in_dim3A_206 = arith.constant 0.000000e+00 : f32
      %broadcast_in_dim3A_207 = vector.broadcast %broadcast_in_dim3A_206 : f32 to vector<16xf32>
      %parallel_loop3A_208 = arith.constant 0 : i32
      %parallel_loop3A_209 = arith.constant 4096 : i32
      %parallel_loop3A_210 = arith.constant 16 : i32
      %parallel_loop3A_211 = scf.for %parallel_loop3A_359 = %parallel_loop3A_208 to %parallel_loop3A_209 step %parallel_loop3A_210 iter_args(%parallel_loop3A_360 = %broadcast_in_dim3A_207) -> (vector<16xf32>)  : i32 {
        %parallel_loop3A_361 = arith.index_cast %parallel_loop3A_359 : i32 to index
        %parallel_loop3A_362 = tpu.vector_load %arg7[%parallel_loop3A_361] {strides = array<i32>} : memref<4096xf32, #tpu.memory_space<vmem>>, vector<16xf32>,
        %parallel_loop3A_363 = arith.index_cast %parallel_loop3A_359 : i32 to index
        %parallel_loop3A_364 = tpu.vector_load %arg13[%parallel_loop3A_363] {strides = array<i32>} : memref<4096xf32, #tpu.memory_space<vmem>>, vector<16xf32>,
        %parallel_loop3A_365 = arith.mulf %parallel_loop3A_362, %parallel_loop3A_364 : vector<16xf32>
        %parallel_loop3A_366 = arith.index_cast %parallel_loop3A_359 : i32 to index
        %parallel_loop3A_367 = tpu.vector_load %arg9[%parallel_loop3A_366] {strides = array<i32>} : memref<4096xf32, #tpu.memory_space<vmem>>, vector<16xf32>,
        %parallel_loop3A_368 = arith.addf %parallel_loop3A_365, %parallel_loop3A_367 : vector<16xf32>
        %parallel_loop3A_369 = arith.constant 1.000000e+00 : f32
        %parallel_loop3A_370 = vector.broadcast %parallel_loop3A_369 : f32 to vector<16xf32>
        %parallel_loop3A_371 = arith.cmpf oge, %parallel_loop3A_368, %parallel_loop3A_370 : vector<16xf32>
        %parallel_loop3A_372 = arith.constant 1.000000e+00 : f32
        %parallel_loop3A_373 = arith.constant 0.000000e+00 : f32
        %parallel_loop3A_374 = vector.broadcast %parallel_loop3A_372 : f32 to vector<16xf32>
        %parallel_loop3A_375 = vector.broadcast %parallel_loop3A_373 : f32 to vector<16xf32>
        %parallel_loop3A_376 = arith.select %parallel_loop3A_371, %parallel_loop3A_374, %parallel_loop3A_375 : vector<16xi1>, vector<16xf32>
        %parallel_loop3A_377 = arith.subf %parallel_loop3A_368, %parallel_loop3A_376 : vector<16xf32>
        %parallel_loop3A_378 = arith.index_cast %parallel_loop3A_359 : i32 to index
        %parallel_loop3A_379 = tpu.vector_load %arg17[%parallel_loop3A_378] {strides = array<i32>} : memref<4096xf32, #tpu.memory_space<vmem>>, vector<16xf32>,
        tpu.vector_store %arg17[%parallel_loop3A_378], %parallel_loop3A_377 {strides = array<i32>} : memref<4096xf32, #tpu.memory_space<vmem>>, vector<16xf32>,
        %parallel_loop3A_380 = arith.index_cast %parallel_loop3A_359 : i32 to index
        %parallel_loop3A_381 = tpu.vector_load %arg21[%parallel_loop3A_380] {strides = array<i32>} : memref<4096xf32, #tpu.memory_space<vmem>>, vector<16xf32>,
        tpu.vector_store %arg21[%parallel_loop3A_380], %parallel_loop3A_376 {strides = array<i32>} : memref<4096xf32, #tpu.memory_space<vmem>>, vector<16xf32>,
        %parallel_loop3A_382 = arith.maximumf %parallel_loop3A_360, %parallel_loop3A_376 : vector<16xf32>
        scf.yield %parallel_loop3A_382 : vector<16xf32>
      } {sc.loop_unroll_factor = 8 : i64, sc.parallel_access}
      %broadcast_in_dim3A_212 = arith.constant true
      %broadcast_in_dim3A_213 = vector.broadcast %broadcast_in_dim3A_212 : i1 to vector<16xi1>
      %masked_cummax3A_214 = tpu.scan <max>, %parallel_loop3A_211 masked %broadcast_in_dim3A_213 : vector<16xf32>, vector<16xi1> -> vector<16xf32>
      %rev3A_215 = arith.constant 15 : i32
      %rev3A_216 = vector.broadcast %rev3A_215 : i32 to vector<16xi32>
      %rev3A_217 = tpu.iota {dimensions = array<i32: 0>} : vector<16xi32>
      %rev3A_218 = arith.subi %rev3A_216, %rev3A_217 : vector<16xi32>
      %rev3A_219 = tpu.dynamic_gather %masked_cummax3A_214[%rev3A_218] in [0] : vector<16xf32>, vector<16xi32> -> vector<16xf32>
      %max3A_220 = arith.maximumf %masked_cummax3A_214, %rev3A_219 : vector<16xf32>
      %broadcast_in_dim3A_221 = arith.constant true
      %broadcast_in_dim3A_222 = vector.broadcast %broadcast_in_dim3A_221 : i1 to vector<16xi1>
      %masked_cummax3A_223 = tpu.scan <max>, %max3A_220 masked %broadcast_in_dim3A_222 : vector<16xf32>, vector<16xi1> -> vector<16xf32>
      %parallel_loop3A_224 = arith.constant 0 : i32
      %parallel_loop3A_225 = arith.constant 4096 : i32
      %parallel_loop3A_226 = arith.constant 16 : i32
      scf.for %parallel_loop3A_359 = %parallel_loop3A_224 to %parallel_loop3A_225 step %parallel_loop3A_226  : i32 {
        %parallel_loop3A_360 = arith.index_cast %parallel_loop3A_359 : i32 to index
        %parallel_loop3A_361 = tpu.vector_load %arg21[%parallel_loop3A_360] {strides = array<i32>} : memref<4096xf32, #tpu.memory_space<vmem>>, vector<16xf32>,
        %parallel_loop3A_362 = arith.cmpf oge, %parallel_loop3A_361, %masked_cummax3A_223 : vector<16xf32>
        %parallel_loop3A_363 = arith.constant 0.000000e+00 : f32
        %parallel_loop3A_364 = vector.broadcast %parallel_loop3A_363 : f32 to vector<16xf32>
        %parallel_loop3A_365 = arith.select %parallel_loop3A_362, %parallel_loop3A_361, %parallel_loop3A_364 : vector<16xi1>, vector<16xf32>
        %parallel_loop3A_366 = arith.index_cast %parallel_loop3A_359 : i32 to index
        %parallel_loop3A_367 = tpu.vector_load %arg21[%parallel_loop3A_366] {strides = array<i32>} : memref<4096xf32, #tpu.memory_space<vmem>>, vector<16xf32>,
        tpu.vector_store %arg21[%parallel_loop3A_366], %parallel_loop3A_365 {strides = array<i32>} : memref<4096xf32, #tpu.memory_space<vmem>>, vector<16xf32>,
      } {sc.loop_unroll_factor = 8 : i64, sc.parallel_access}
      %add3A_227 = arith.addi %mul3A_32, %add3A_179 : i32
      %dma_start3A_228 = tpu.memref_slice %arg5[%add3A_227, %mul3A_34] : memref<128x32768xf32, #tpu.memory_space<hbm>> -> memref<1x4096xf32, #tpu.memory_space<hbm>>
      %dma_start3A_229 = tpu.memref_squeeze %dma_start3A_228 : memref<1x4096xf32, #tpu.memory_space<hbm>> -> memref<4096xf32, #tpu.memory_space<hbm>>
      %dma_start3A_230 = tpu.memref_slice %arg5[%add3A_227, %mul3A_34] : memref<128x32768xf32, #tpu.memory_space<hbm>> -> memref<1x4096xf32, #tpu.memory_space<hbm>>
      %dma_start3A_231 = tpu.memref_squeeze %dma_start3A_230 : memref<1x4096xf32, #tpu.memory_space<hbm>> -> memref<4096xf32, #tpu.memory_space<hbm>>
      tpu.enqueue_dma source(%arg17 : memref<4096xf32, #tpu.memory_space<vmem>>) target(%dma_start3A_231 : memref<4096xf32, #tpu.memory_space<hbm>>) target_semaphore(%arg29 : memref<!tpu.dma_semaphore, #tpu.memory_space<semaphore_mem>>)
      %add3A_232 = arith.addi %mul3A_32, %add3A_179 : i32
      %dma_start3A_233 = tpu.memref_slice %arg6[%add3A_232, %mul3A_34] : memref<128x32768xf32, #tpu.memory_space<hbm>> -> memref<1x4096xf32, #tpu.memory_space<hbm>>
      %dma_start3A_234 = tpu.memref_squeeze %dma_start3A_233 : memref<1x4096xf32, #tpu.memory_space<hbm>> -> memref<4096xf32, #tpu.memory_space<hbm>>
      %dma_start3A_235 = tpu.memref_slice %arg6[%add3A_232, %mul3A_34] : memref<128x32768xf32, #tpu.memory_space<hbm>> -> memref<1x4096xf32, #tpu.memory_space<hbm>>
      %dma_start3A_236 = tpu.memref_squeeze %dma_start3A_235 : memref<1x4096xf32, #tpu.memory_space<hbm>> -> memref<4096xf32, #tpu.memory_space<hbm>>
      tpu.enqueue_dma source(%arg21 : memref<4096xf32, #tpu.memory_space<vmem>>) target(%dma_start3A_236 : memref<4096xf32, #tpu.memory_space<hbm>>) target_semaphore(%arg29 : memref<!tpu.dma_semaphore, #tpu.memory_space<semaphore_mem>>)
      %mul3A_237 = arith.constant 4 : i32
      %mul3A_238 = arith.muli %scan3A_122, %mul3A_237 : i32
      %add3A_239 = arith.constant 2 : i32
      %add3A_240 = arith.addi %mul3A_238, %add3A_239 : i32
      %add3A_241 = arith.constant 4 : i32
      %add3A_242 = arith.addi %add3A_240, %add3A_241 : i32
      %sub3A_243 = arith.constant 1 : i32
      %sub3A_244 = arith.subi %add3A_242, %sub3A_243 : i32
      %lt3A_245 = arith.constant 32 : i32
      %lt3A_246 = arith.cmpi slt, %sub3A_244, %lt3A_245 : i32
      %convert_element_type3A_247 = arith.extui %lt3A_246 : i1 to i32
      %cond3A_248 = arith.constant 0 : i32
      %cond3A_249 = arith.cmpi ne, %convert_element_type3A_247, %cond3A_248 : i32
      scf.if %cond3A_249 {
        %add3A_359 = arith.constant 4 : i32
        %add3A_360 = arith.addi %add3A_240, %add3A_359 : i32
        %sub3A_361 = arith.constant 1 : i32
        %sub3A_362 = arith.subi %add3A_360, %sub3A_361 : i32
        %add3A_363 = arith.addi %mul3A_32, %sub3A_362 : i32
        %dma_start3A_364 = tpu.memref_slice %arg2[%add3A_363, %mul3A_34] : memref<128x32768xf32, #tpu.memory_space<hbm>> -> memref<1x4096xf32, #tpu.memory_space<hbm>>
        %dma_start3A_365 = tpu.memref_squeeze %dma_start3A_364 : memref<1x4096xf32, #tpu.memory_space<hbm>> -> memref<4096xf32, #tpu.memory_space<hbm>>
        %dma_start3A_366 = tpu.memref_slice %arg2[%add3A_363, %mul3A_34] : memref<128x32768xf32, #tpu.memory_space<hbm>> -> memref<1x4096xf32, #tpu.memory_space<hbm>>
        %dma_start3A_367 = tpu.memref_squeeze %dma_start3A_366 : memref<1x4096xf32, #tpu.memory_space<hbm>> -> memref<4096xf32, #tpu.memory_space<hbm>>
        tpu.enqueue_dma source(%dma_start3A_367 : memref<4096xf32, #tpu.memory_space<hbm>>) target(%arg9 : memref<4096xf32, #tpu.memory_space<vmem>>) target_semaphore(%arg25 : memref<!tpu.dma_semaphore, #tpu.memory_space<semaphore_mem>>)
        %add3A_368 = arith.addi %mul3A_32, %sub3A_362 : i32
        %dma_start3A_369 = tpu.memref_slice %arg3[%add3A_368, %mul3A_34] : memref<128x32768xf32, #tpu.memory_space<hbm>> -> memref<1x4096xf32, #tpu.memory_space<hbm>>
        %dma_start3A_370 = tpu.memref_squeeze %dma_start3A_369 : memref<1x4096xf32, #tpu.memory_space<hbm>> -> memref<4096xf32, #tpu.memory_space<hbm>>
        %dma_start3A_371 = tpu.memref_slice %arg3[%add3A_368, %mul3A_34] : memref<128x32768xf32, #tpu.memory_space<hbm>> -> memref<1x4096xf32, #tpu.memory_space<hbm>>
        %dma_start3A_372 = tpu.memref_squeeze %dma_start3A_371 : memref<1x4096xf32, #tpu.memory_space<hbm>> -> memref<4096xf32, #tpu.memory_space<hbm>>
        tpu.enqueue_dma source(%dma_start3A_372 : memref<4096xf32, #tpu.memory_space<hbm>>) target(%arg13 : memref<4096xf32, #tpu.memory_space<vmem>>) target_semaphore(%arg25 : memref<!tpu.dma_semaphore, #tpu.memory_space<semaphore_mem>>)
      } else {
      }
      %add3A_250 = arith.constant 0 : i32
      %add3A_251 = arith.addi %mul3A_32, %add3A_250 : i32
      %dma_wait3A_252 = tpu.memref_slice %arg2[%add3A_251, %mul3A_34] : memref<128x32768xf32, #tpu.memory_space<hbm>> -> memref<1x4096xf32, #tpu.memory_space<hbm>>
      %dma_wait3A_253 = tpu.memref_squeeze %dma_wait3A_252 : memref<1x4096xf32, #tpu.memory_space<hbm>> -> memref<4096xf32, #tpu.memory_space<hbm>>
      %dma_wait3A_254 = tpu.memref_slice %arg2[%add3A_251, %mul3A_34] : memref<128x32768xf32, #tpu.memory_space<hbm>> -> memref<1x4096xf32, #tpu.memory_space<hbm>>
      %dma_wait3A_255 = tpu.memref_squeeze %dma_wait3A_254 : memref<1x4096xf32, #tpu.memory_space<hbm>> -> memref<4096xf32, #tpu.memory_space<hbm>>
      tpu.wait_dma2 semaphore(%arg26 : memref<!tpu.dma_semaphore, #tpu.memory_space<semaphore_mem>>) src(%dma_wait3A_255 : memref<4096xf32, #tpu.memory_space<hbm>>) dst(%arg10 : memref<4096xf32, #tpu.memory_space<vmem>>)
      %add3A_256 = arith.constant 0 : i32
      %add3A_257 = arith.addi %mul3A_32, %add3A_256 : i32
      %dma_wait3A_258 = tpu.memref_slice %arg3[%add3A_257, %mul3A_34] : memref<128x32768xf32, #tpu.memory_space<hbm>> -> memref<1x4096xf32, #tpu.memory_space<hbm>>
      %dma_wait3A_259 = tpu.memref_squeeze %dma_wait3A_258 : memref<1x4096xf32, #tpu.memory_space<hbm>> -> memref<4096xf32, #tpu.memory_space<hbm>>
      %dma_wait3A_260 = tpu.memref_slice %arg3[%add3A_257, %mul3A_34] : memref<128x32768xf32, #tpu.memory_space<hbm>> -> memref<1x4096xf32, #tpu.memory_space<hbm>>
      %dma_wait3A_261 = tpu.memref_squeeze %dma_wait3A_260 : memref<1x4096xf32, #tpu.memory_space<hbm>> -> memref<4096xf32, #tpu.memory_space<hbm>>
      tpu.wait_dma2 semaphore(%arg26 : memref<!tpu.dma_semaphore, #tpu.memory_space<semaphore_mem>>) src(%dma_wait3A_261 : memref<4096xf32, #tpu.memory_space<hbm>>) dst(%arg14 : memref<4096xf32, #tpu.memory_space<vmem>>)
      %ge3A_262 = arith.constant 4 : i32
      %ge3A_263 = arith.cmpi sge, %add3A_240, %ge3A_262 : i32
      %convert_element_type3A_264 = arith.extui %ge3A_263 : i1 to i32
      %cond3A_265 = arith.constant 0 : i32
      %cond3A_266 = arith.cmpi ne, %convert_element_type3A_264, %cond3A_265 : i32
      scf.if %cond3A_266 {
        %add3A_359 = arith.constant 0 : i32
        %add3A_360 = arith.addi %mul3A_32, %add3A_359 : i32
        %dma_wait3A_361 = tpu.memref_slice %arg5[%add3A_360, %mul3A_34] : memref<128x32768xf32, #tpu.memory_space<hbm>> -> memref<1x4096xf32, #tpu.memory_space<hbm>>
        %dma_wait3A_362 = tpu.memref_squeeze %dma_wait3A_361 : memref<1x4096xf32, #tpu.memory_space<hbm>> -> memref<4096xf32, #tpu.memory_space<hbm>>
        %dma_wait3A_363 = tpu.memref_slice %arg5[%add3A_360, %mul3A_34] : memref<128x32768xf32, #tpu.memory_space<hbm>> -> memref<1x4096xf32, #tpu.memory_space<hbm>>
        %dma_wait3A_364 = tpu.memref_squeeze %dma_wait3A_363 : memref<1x4096xf32, #tpu.memory_space<hbm>> -> memref<4096xf32, #tpu.memory_space<hbm>>
        tpu.wait_dma2 semaphore(%arg30 : memref<!tpu.dma_semaphore, #tpu.memory_space<semaphore_mem>>) src(%arg18 : memref<4096xf32, #tpu.memory_space<vmem>>) dst(%dma_wait3A_364 : memref<4096xf32, #tpu.memory_space<hbm>>)
        %add3A_365 = arith.constant 0 : i32
        %add3A_366 = arith.addi %mul3A_32, %add3A_365 : i32
        %dma_wait3A_367 = tpu.memref_slice %arg6[%add3A_366, %mul3A_34] : memref<128x32768xf32, #tpu.memory_space<hbm>> -> memref<1x4096xf32, #tpu.memory_space<hbm>>
        %dma_wait3A_368 = tpu.memref_squeeze %dma_wait3A_367 : memref<1x4096xf32, #tpu.memory_space<hbm>> -> memref<4096xf32, #tpu.memory_space<hbm>>
        %dma_wait3A_369 = tpu.memref_slice %arg6[%add3A_366, %mul3A_34] : memref<128x32768xf32, #tpu.memory_space<hbm>> -> memref<1x4096xf32, #tpu.memory_space<hbm>>
        %dma_wait3A_370 = tpu.memref_squeeze %dma_wait3A_369 : memref<1x4096xf32, #tpu.memory_space<hbm>> -> memref<4096xf32, #tpu.memory_space<hbm>>
        tpu.wait_dma2 semaphore(%arg30 : memref<!tpu.dma_semaphore, #tpu.memory_space<semaphore_mem>>) src(%arg22 : memref<4096xf32, #tpu.memory_space<vmem>>) dst(%dma_wait3A_370 : memref<4096xf32, #tpu.memory_space<hbm>>)
      } else {
      }
      %broadcast_in_dim3A_267 = arith.constant 0.000000e+00 : f32
      %broadcast_in_dim3A_268 = vector.broadcast %broadcast_in_dim3A_267 : f32 to vector<16xf32>
      %parallel_loop3A_269 = arith.constant 0 : i32
      %parallel_loop3A_270 = arith.constant 4096 : i32
      %parallel_loop3A_271 = arith.constant 16 : i32
      %parallel_loop3A_272 = scf.for %parallel_loop3A_359 = %parallel_loop3A_269 to %parallel_loop3A_270 step %parallel_loop3A_271 iter_args(%parallel_loop3A_360 = %broadcast_in_dim3A_268) -> (vector<16xf32>)  : i32 {
        %parallel_loop3A_361 = arith.index_cast %parallel_loop3A_359 : i32 to index
        %parallel_loop3A_362 = tpu.vector_load %arg7[%parallel_loop3A_361] {strides = array<i32>} : memref<4096xf32, #tpu.memory_space<vmem>>, vector<16xf32>,
        %parallel_loop3A_363 = arith.index_cast %parallel_loop3A_359 : i32 to index
        %parallel_loop3A_364 = tpu.vector_load %arg14[%parallel_loop3A_363] {strides = array<i32>} : memref<4096xf32, #tpu.memory_space<vmem>>, vector<16xf32>,
        %parallel_loop3A_365 = arith.mulf %parallel_loop3A_362, %parallel_loop3A_364 : vector<16xf32>
        %parallel_loop3A_366 = arith.index_cast %parallel_loop3A_359 : i32 to index
        %parallel_loop3A_367 = tpu.vector_load %arg10[%parallel_loop3A_366] {strides = array<i32>} : memref<4096xf32, #tpu.memory_space<vmem>>, vector<16xf32>,
        %parallel_loop3A_368 = arith.addf %parallel_loop3A_365, %parallel_loop3A_367 : vector<16xf32>
        %parallel_loop3A_369 = arith.constant 1.000000e+00 : f32
        %parallel_loop3A_370 = vector.broadcast %parallel_loop3A_369 : f32 to vector<16xf32>
        %parallel_loop3A_371 = arith.cmpf oge, %parallel_loop3A_368, %parallel_loop3A_370 : vector<16xf32>
        %parallel_loop3A_372 = arith.constant 1.000000e+00 : f32
        %parallel_loop3A_373 = arith.constant 0.000000e+00 : f32
        %parallel_loop3A_374 = vector.broadcast %parallel_loop3A_372 : f32 to vector<16xf32>
        %parallel_loop3A_375 = vector.broadcast %parallel_loop3A_373 : f32 to vector<16xf32>
        %parallel_loop3A_376 = arith.select %parallel_loop3A_371, %parallel_loop3A_374, %parallel_loop3A_375 : vector<16xi1>, vector<16xf32>
        %parallel_loop3A_377 = arith.subf %parallel_loop3A_368, %parallel_loop3A_376 : vector<16xf32>
        %parallel_loop3A_378 = arith.index_cast %parallel_loop3A_359 : i32 to index
        %parallel_loop3A_379 = tpu.vector_load %arg18[%parallel_loop3A_378] {strides = array<i32>} : memref<4096xf32, #tpu.memory_space<vmem>>, vector<16xf32>,
        tpu.vector_store %arg18[%parallel_loop3A_378], %parallel_loop3A_377 {strides = array<i32>} : memref<4096xf32, #tpu.memory_space<vmem>>, vector<16xf32>,
        %parallel_loop3A_380 = arith.index_cast %parallel_loop3A_359 : i32 to index
        %parallel_loop3A_381 = tpu.vector_load %arg22[%parallel_loop3A_380] {strides = array<i32>} : memref<4096xf32, #tpu.memory_space<vmem>>, vector<16xf32>,
        tpu.vector_store %arg22[%parallel_loop3A_380], %parallel_loop3A_376 {strides = array<i32>} : memref<4096xf32, #tpu.memory_space<vmem>>, vector<16xf32>,
        %parallel_loop3A_382 = arith.maximumf %parallel_loop3A_360, %parallel_loop3A_376 : vector<16xf32>
        scf.yield %parallel_loop3A_382 : vector<16xf32>
      } {sc.loop_unroll_factor = 8 : i64, sc.parallel_access}
      %broadcast_in_dim3A_273 = arith.constant true
      %broadcast_in_dim3A_274 = vector.broadcast %broadcast_in_dim3A_273 : i1 to vector<16xi1>
      %masked_cummax3A_275 = tpu.scan <max>, %parallel_loop3A_272 masked %broadcast_in_dim3A_274 : vector<16xf32>, vector<16xi1> -> vector<16xf32>
      %rev3A_276 = arith.constant 15 : i32
      %rev3A_277 = vector.broadcast %rev3A_276 : i32 to vector<16xi32>
      %rev3A_278 = tpu.iota {dimensions = array<i32: 0>} : vector<16xi32>
      %rev3A_279 = arith.subi %rev3A_277, %rev3A_278 : vector<16xi32>
      %rev3A_280 = tpu.dynamic_gather %masked_cummax3A_275[%rev3A_279] in [0] : vector<16xf32>, vector<16xi32> -> vector<16xf32>
      %max3A_281 = arith.maximumf %masked_cummax3A_275, %rev3A_280 : vector<16xf32>
      %broadcast_in_dim3A_282 = arith.constant true
      %broadcast_in_dim3A_283 = vector.broadcast %broadcast_in_dim3A_282 : i1 to vector<16xi1>
      %masked_cummax3A_284 = tpu.scan <max>, %max3A_281 masked %broadcast_in_dim3A_283 : vector<16xf32>, vector<16xi1> -> vector<16xf32>
      %parallel_loop3A_285 = arith.constant 0 : i32
      %parallel_loop3A_286 = arith.constant 4096 : i32
      %parallel_loop3A_287 = arith.constant 16 : i32
      scf.for %parallel_loop3A_359 = %parallel_loop3A_285 to %parallel_loop3A_286 step %parallel_loop3A_287  : i32 {
        %parallel_loop3A_360 = arith.index_cast %parallel_loop3A_359 : i32 to index
        %parallel_loop3A_361 = tpu.vector_load %arg22[%parallel_loop3A_360] {strides = array<i32>} : memref<4096xf32, #tpu.memory_space<vmem>>, vector<16xf32>,
        %parallel_loop3A_362 = arith.cmpf oge, %parallel_loop3A_361, %masked_cummax3A_284 : vector<16xf32>
        %parallel_loop3A_363 = arith.constant 0.000000e+00 : f32
        %parallel_loop3A_364 = vector.broadcast %parallel_loop3A_363 : f32 to vector<16xf32>
        %parallel_loop3A_365 = arith.select %parallel_loop3A_362, %parallel_loop3A_361, %parallel_loop3A_364 : vector<16xi1>, vector<16xf32>
        %parallel_loop3A_366 = arith.index_cast %parallel_loop3A_359 : i32 to index
        %parallel_loop3A_367 = tpu.vector_load %arg22[%parallel_loop3A_366] {strides = array<i32>} : memref<4096xf32, #tpu.memory_space<vmem>>, vector<16xf32>,
        tpu.vector_store %arg22[%parallel_loop3A_366], %parallel_loop3A_365 {strides = array<i32>} : memref<4096xf32, #tpu.memory_space<vmem>>, vector<16xf32>,
      } {sc.loop_unroll_factor = 8 : i64, sc.parallel_access}
      %add3A_288 = arith.addi %mul3A_32, %add3A_240 : i32
      %dma_start3A_289 = tpu.memref_slice %arg5[%add3A_288, %mul3A_34] : memref<128x32768xf32, #tpu.memory_space<hbm>> -> memref<1x4096xf32, #tpu.memory_space<hbm>>
      %dma_start3A_290 = tpu.memref_squeeze %dma_start3A_289 : memref<1x4096xf32, #tpu.memory_space<hbm>> -> memref<4096xf32, #tpu.memory_space<hbm>>
      %dma_start3A_291 = tpu.memref_slice %arg5[%add3A_288, %mul3A_34] : memref<128x32768xf32, #tpu.memory_space<hbm>> -> memref<1x4096xf32, #tpu.memory_space<hbm>>
      %dma_start3A_292 = tpu.memref_squeeze %dma_start3A_291 : memref<1x4096xf32, #tpu.memory_space<hbm>> -> memref<4096xf32, #tpu.memory_space<hbm>>
      tpu.enqueue_dma source(%arg18 : memref<4096xf32, #tpu.memory_space<vmem>>) target(%dma_start3A_292 : memref<4096xf32, #tpu.memory_space<hbm>>) target_semaphore(%arg30 : memref<!tpu.dma_semaphore, #tpu.memory_space<semaphore_mem>>)
      %add3A_293 = arith.addi %mul3A_32, %add3A_240 : i32
      %dma_start3A_294 = tpu.memref_slice %arg6[%add3A_293, %mul3A_34] : memref<128x32768xf32, #tpu.memory_space<hbm>> -> memref<1x4096xf32, #tpu.memory_space<hbm>>
      %dma_start3A_295 = tpu.memref_squeeze %dma_start3A_294 : memref<1x4096xf32, #tpu.memory_space<hbm>> -> memref<4096xf32, #tpu.memory_space<hbm>>
      %dma_start3A_296 = tpu.memref_slice %arg6[%add3A_293, %mul3A_34] : memref<128x32768xf32, #tpu.memory_space<hbm>> -> memref<1x4096xf32, #tpu.memory_space<hbm>>
      %dma_start3A_297 = tpu.memref_squeeze %dma_start3A_296 : memref<1x4096xf32, #tpu.memory_space<hbm>> -> memref<4096xf32, #tpu.memory_space<hbm>>
      tpu.enqueue_dma source(%arg22 : memref<4096xf32, #tpu.memory_space<vmem>>) target(%dma_start3A_297 : memref<4096xf32, #tpu.memory_space<hbm>>) target_semaphore(%arg30 : memref<!tpu.dma_semaphore, #tpu.memory_space<semaphore_mem>>)
      %mul3A_298 = arith.constant 4 : i32
      %mul3A_299 = arith.muli %scan3A_122, %mul3A_298 : i32
      %add3A_300 = arith.constant 3 : i32
      %add3A_301 = arith.addi %mul3A_299, %add3A_300 : i32
      %add3A_302 = arith.constant 4 : i32
      %add3A_303 = arith.addi %add3A_301, %add3A_302 : i32
      %sub3A_304 = arith.constant 1 : i32
      %sub3A_305 = arith.subi %add3A_303, %sub3A_304 : i32
      %lt3A_306 = arith.constant 32 : i32
      %lt3A_307 = arith.cmpi slt, %sub3A_305, %lt3A_306 : i32
      %convert_element_type3A_308 = arith.extui %lt3A_307 : i1 to i32
      %cond3A_309 = arith.constant 0 : i32
      %cond3A_310 = arith.cmpi ne, %convert_element_type3A_308, %cond3A_309 : i32
      scf.if %cond3A_310 {
        %add3A_359 = arith.constant 4 : i32
        %add3A_360 = arith.addi %add3A_301, %add3A_359 : i32
        %sub3A_361 = arith.constant 1 : i32
        %sub3A_362 = arith.subi %add3A_360, %sub3A_361 : i32
        %add3A_363 = arith.addi %mul3A_32, %sub3A_362 : i32
        %dma_start3A_364 = tpu.memref_slice %arg2[%add3A_363, %mul3A_34] : memref<128x32768xf32, #tpu.memory_space<hbm>> -> memref<1x4096xf32, #tpu.memory_space<hbm>>
        %dma_start3A_365 = tpu.memref_squeeze %dma_start3A_364 : memref<1x4096xf32, #tpu.memory_space<hbm>> -> memref<4096xf32, #tpu.memory_space<hbm>>
        %dma_start3A_366 = tpu.memref_slice %arg2[%add3A_363, %mul3A_34] : memref<128x32768xf32, #tpu.memory_space<hbm>> -> memref<1x4096xf32, #tpu.memory_space<hbm>>
        %dma_start3A_367 = tpu.memref_squeeze %dma_start3A_366 : memref<1x4096xf32, #tpu.memory_space<hbm>> -> memref<4096xf32, #tpu.memory_space<hbm>>
        tpu.enqueue_dma source(%dma_start3A_367 : memref<4096xf32, #tpu.memory_space<hbm>>) target(%arg10 : memref<4096xf32, #tpu.memory_space<vmem>>) target_semaphore(%arg26 : memref<!tpu.dma_semaphore, #tpu.memory_space<semaphore_mem>>)
        %add3A_368 = arith.addi %mul3A_32, %sub3A_362 : i32
        %dma_start3A_369 = tpu.memref_slice %arg3[%add3A_368, %mul3A_34] : memref<128x32768xf32, #tpu.memory_space<hbm>> -> memref<1x4096xf32, #tpu.memory_space<hbm>>
        %dma_start3A_370 = tpu.memref_squeeze %dma_start3A_369 : memref<1x4096xf32, #tpu.memory_space<hbm>> -> memref<4096xf32, #tpu.memory_space<hbm>>
        %dma_start3A_371 = tpu.memref_slice %arg3[%add3A_368, %mul3A_34] : memref<128x32768xf32, #tpu.memory_space<hbm>> -> memref<1x4096xf32, #tpu.memory_space<hbm>>
        %dma_start3A_372 = tpu.memref_squeeze %dma_start3A_371 : memref<1x4096xf32, #tpu.memory_space<hbm>> -> memref<4096xf32, #tpu.memory_space<hbm>>
        tpu.enqueue_dma source(%dma_start3A_372 : memref<4096xf32, #tpu.memory_space<hbm>>) target(%arg14 : memref<4096xf32, #tpu.memory_space<vmem>>) target_semaphore(%arg26 : memref<!tpu.dma_semaphore, #tpu.memory_space<semaphore_mem>>)
      } else {
      }
      %add3A_311 = arith.constant 0 : i32
      %add3A_312 = arith.addi %mul3A_32, %add3A_311 : i32
      %dma_wait3A_313 = tpu.memref_slice %arg2[%add3A_312, %mul3A_34] : memref<128x32768xf32, #tpu.memory_space<hbm>> -> memref<1x4096xf32, #tpu.memory_space<hbm>>
      %dma_wait3A_314 = tpu.memref_squeeze %dma_wait3A_313 : memref<1x4096xf32, #tpu.memory_space<hbm>> -> memref<4096xf32, #tpu.memory_space<hbm>>
      %dma_wait3A_315 = tpu.memref_slice %arg2[%add3A_312, %mul3A_34] : memref<128x32768xf32, #tpu.memory_space<hbm>> -> memref<1x4096xf32, #tpu.memory_space<hbm>>
      %dma_wait3A_316 = tpu.memref_squeeze %dma_wait3A_315 : memref<1x4096xf32, #tpu.memory_space<hbm>> -> memref<4096xf32, #tpu.memory_space<hbm>>
      tpu.wait_dma2 semaphore(%arg27 : memref<!tpu.dma_semaphore, #tpu.memory_space<semaphore_mem>>) src(%dma_wait3A_316 : memref<4096xf32, #tpu.memory_space<hbm>>) dst(%arg11 : memref<4096xf32, #tpu.memory_space<vmem>>)
      %add3A_317 = arith.constant 0 : i32
      %add3A_318 = arith.addi %mul3A_32, %add3A_317 : i32
      %dma_wait3A_319 = tpu.memref_slice %arg3[%add3A_318, %mul3A_34] : memref<128x32768xf32, #tpu.memory_space<hbm>> -> memref<1x4096xf32, #tpu.memory_space<hbm>>
      %dma_wait3A_320 = tpu.memref_squeeze %dma_wait3A_319 : memref<1x4096xf32, #tpu.memory_space<hbm>> -> memref<4096xf32, #tpu.memory_space<hbm>>
      %dma_wait3A_321 = tpu.memref_slice %arg3[%add3A_318, %mul3A_34] : memref<128x32768xf32, #tpu.memory_space<hbm>> -> memref<1x4096xf32, #tpu.memory_space<hbm>>
      %dma_wait3A_322 = tpu.memref_squeeze %dma_wait3A_321 : memref<1x4096xf32, #tpu.memory_space<hbm>> -> memref<4096xf32, #tpu.memory_space<hbm>>
      tpu.wait_dma2 semaphore(%arg27 : memref<!tpu.dma_semaphore, #tpu.memory_space<semaphore_mem>>) src(%dma_wait3A_322 : memref<4096xf32, #tpu.memory_space<hbm>>) dst(%arg15 : memref<4096xf32, #tpu.memory_space<vmem>>)
      %ge3A_323 = arith.constant 4 : i32
      %ge3A_324 = arith.cmpi sge, %add3A_301, %ge3A_323 : i32
      %convert_element_type3A_325 = arith.extui %ge3A_324 : i1 to i32
      %cond3A_326 = arith.constant 0 : i32
      %cond3A_327 = arith.cmpi ne, %convert_element_type3A_325, %cond3A_326 : i32
      scf.if %cond3A_327 {
        %add3A_359 = arith.constant 0 : i32
        %add3A_360 = arith.addi %mul3A_32, %add3A_359 : i32
        %dma_wait3A_361 = tpu.memref_slice %arg5[%add3A_360, %mul3A_34] : memref<128x32768xf32, #tpu.memory_space<hbm>> -> memref<1x4096xf32, #tpu.memory_space<hbm>>
        %dma_wait3A_362 = tpu.memref_squeeze %dma_wait3A_361 : memref<1x4096xf32, #tpu.memory_space<hbm>> -> memref<4096xf32, #tpu.memory_space<hbm>>
        %dma_wait3A_363 = tpu.memref_slice %arg5[%add3A_360, %mul3A_34] : memref<128x32768xf32, #tpu.memory_space<hbm>> -> memref<1x4096xf32, #tpu.memory_space<hbm>>
        %dma_wait3A_364 = tpu.memref_squeeze %dma_wait3A_363 : memref<1x4096xf32, #tpu.memory_space<hbm>> -> memref<4096xf32, #tpu.memory_space<hbm>>
        tpu.wait_dma2 semaphore(%arg31 : memref<!tpu.dma_semaphore, #tpu.memory_space<semaphore_mem>>) src(%arg19 : memref<4096xf32, #tpu.memory_space<vmem>>) dst(%dma_wait3A_364 : memref<4096xf32, #tpu.memory_space<hbm>>)
        %add3A_365 = arith.constant 0 : i32
        %add3A_366 = arith.addi %mul3A_32, %add3A_365 : i32
        %dma_wait3A_367 = tpu.memref_slice %arg6[%add3A_366, %mul3A_34] : memref<128x32768xf32, #tpu.memory_space<hbm>> -> memref<1x4096xf32, #tpu.memory_space<hbm>>
        %dma_wait3A_368 = tpu.memref_squeeze %dma_wait3A_367 : memref<1x4096xf32, #tpu.memory_space<hbm>> -> memref<4096xf32, #tpu.memory_space<hbm>>
        %dma_wait3A_369 = tpu.memref_slice %arg6[%add3A_366, %mul3A_34] : memref<128x32768xf32, #tpu.memory_space<hbm>> -> memref<1x4096xf32, #tpu.memory_space<hbm>>
        %dma_wait3A_370 = tpu.memref_squeeze %dma_wait3A_369 : memref<1x4096xf32, #tpu.memory_space<hbm>> -> memref<4096xf32, #tpu.memory_space<hbm>>
        tpu.wait_dma2 semaphore(%arg31 : memref<!tpu.dma_semaphore, #tpu.memory_space<semaphore_mem>>) src(%arg23 : memref<4096xf32, #tpu.memory_space<vmem>>) dst(%dma_wait3A_370 : memref<4096xf32, #tpu.memory_space<hbm>>)
      } else {
      }
      %broadcast_in_dim3A_328 = arith.constant 0.000000e+00 : f32
      %broadcast_in_dim3A_329 = vector.broadcast %broadcast_in_dim3A_328 : f32 to vector<16xf32>
      %parallel_loop3A_330 = arith.constant 0 : i32
      %parallel_loop3A_331 = arith.constant 4096 : i32
      %parallel_loop3A_332 = arith.constant 16 : i32
      %parallel_loop3A_333 = scf.for %parallel_loop3A_359 = %parallel_loop3A_330 to %parallel_loop3A_331 step %parallel_loop3A_332 iter_args(%parallel_loop3A_360 = %broadcast_in_dim3A_329) -> (vector<16xf32>)  : i32 {
        %parallel_loop3A_361 = arith.index_cast %parallel_loop3A_359 : i32 to index
        %parallel_loop3A_362 = tpu.vector_load %arg7[%parallel_loop3A_361] {strides = array<i32>} : memref<4096xf32, #tpu.memory_space<vmem>>, vector<16xf32>,
        %parallel_loop3A_363 = arith.index_cast %parallel_loop3A_359 : i32 to index
        %parallel_loop3A_364 = tpu.vector_load %arg15[%parallel_loop3A_363] {strides = array<i32>} : memref<4096xf32, #tpu.memory_space<vmem>>, vector<16xf32>,
        %parallel_loop3A_365 = arith.mulf %parallel_loop3A_362, %parallel_loop3A_364 : vector<16xf32>
        %parallel_loop3A_366 = arith.index_cast %parallel_loop3A_359 : i32 to index
        %parallel_loop3A_367 = tpu.vector_load %arg11[%parallel_loop3A_366] {strides = array<i32>} : memref<4096xf32, #tpu.memory_space<vmem>>, vector<16xf32>,
        %parallel_loop3A_368 = arith.addf %parallel_loop3A_365, %parallel_loop3A_367 : vector<16xf32>
        %parallel_loop3A_369 = arith.constant 1.000000e+00 : f32
        %parallel_loop3A_370 = vector.broadcast %parallel_loop3A_369 : f32 to vector<16xf32>
        %parallel_loop3A_371 = arith.cmpf oge, %parallel_loop3A_368, %parallel_loop3A_370 : vector<16xf32>
        %parallel_loop3A_372 = arith.constant 1.000000e+00 : f32
        %parallel_loop3A_373 = arith.constant 0.000000e+00 : f32
        %parallel_loop3A_374 = vector.broadcast %parallel_loop3A_372 : f32 to vector<16xf32>
        %parallel_loop3A_375 = vector.broadcast %parallel_loop3A_373 : f32 to vector<16xf32>
        %parallel_loop3A_376 = arith.select %parallel_loop3A_371, %parallel_loop3A_374, %parallel_loop3A_375 : vector<16xi1>, vector<16xf32>
        %parallel_loop3A_377 = arith.subf %parallel_loop3A_368, %parallel_loop3A_376 : vector<16xf32>
        %parallel_loop3A_378 = arith.index_cast %parallel_loop3A_359 : i32 to index
        %parallel_loop3A_379 = tpu.vector_load %arg19[%parallel_loop3A_378] {strides = array<i32>} : memref<4096xf32, #tpu.memory_space<vmem>>, vector<16xf32>,
        tpu.vector_store %arg19[%parallel_loop3A_378], %parallel_loop3A_377 {strides = array<i32>} : memref<4096xf32, #tpu.memory_space<vmem>>, vector<16xf32>,
        %parallel_loop3A_380 = arith.index_cast %parallel_loop3A_359 : i32 to index
        %parallel_loop3A_381 = tpu.vector_load %arg23[%parallel_loop3A_380] {strides = array<i32>} : memref<4096xf32, #tpu.memory_space<vmem>>, vector<16xf32>,
        tpu.vector_store %arg23[%parallel_loop3A_380], %parallel_loop3A_376 {strides = array<i32>} : memref<4096xf32, #tpu.memory_space<vmem>>, vector<16xf32>,
        %parallel_loop3A_382 = arith.maximumf %parallel_loop3A_360, %parallel_loop3A_376 : vector<16xf32>
        scf.yield %parallel_loop3A_382 : vector<16xf32>
      } {sc.loop_unroll_factor = 8 : i64, sc.parallel_access}
      %broadcast_in_dim3A_334 = arith.constant true
      %broadcast_in_dim3A_335 = vector.broadcast %broadcast_in_dim3A_334 : i1 to vector<16xi1>
      %masked_cummax3A_336 = tpu.scan <max>, %parallel_loop3A_333 masked %broadcast_in_dim3A_335 : vector<16xf32>, vector<16xi1> -> vector<16xf32>
      %rev3A_337 = arith.constant 15 : i32
      %rev3A_338 = vector.broadcast %rev3A_337 : i32 to vector<16xi32>
      %rev3A_339 = tpu.iota {dimensions = array<i32: 0>} : vector<16xi32>
      %rev3A_340 = arith.subi %rev3A_338, %rev3A_339 : vector<16xi32>
      %rev3A_341 = tpu.dynamic_gather %masked_cummax3A_336[%rev3A_340] in [0] : vector<16xf32>, vector<16xi32> -> vector<16xf32>
      %max3A_342 = arith.maximumf %masked_cummax3A_336, %rev3A_341 : vector<16xf32>
      %broadcast_in_dim3A_343 = arith.constant true
      %broadcast_in_dim3A_344 = vector.broadcast %broadcast_in_dim3A_343 : i1 to vector<16xi1>
      %masked_cummax3A_345 = tpu.scan <max>, %max3A_342 masked %broadcast_in_dim3A_344 : vector<16xf32>, vector<16xi1> -> vector<16xf32>
      %parallel_loop3A_346 = arith.constant 0 : i32
      %parallel_loop3A_347 = arith.constant 4096 : i32
      %parallel_loop3A_348 = arith.constant 16 : i32
      scf.for %parallel_loop3A_359 = %parallel_loop3A_346 to %parallel_loop3A_347 step %parallel_loop3A_348  : i32 {
        %parallel_loop3A_360 = arith.index_cast %parallel_loop3A_359 : i32 to index
        %parallel_loop3A_361 = tpu.vector_load %arg23[%parallel_loop3A_360] {strides = array<i32>} : memref<4096xf32, #tpu.memory_space<vmem>>, vector<16xf32>,
        %parallel_loop3A_362 = arith.cmpf oge, %parallel_loop3A_361, %masked_cummax3A_345 : vector<16xf32>
        %parallel_loop3A_363 = arith.constant 0.000000e+00 : f32
        %parallel_loop3A_364 = vector.broadcast %parallel_loop3A_363 : f32 to vector<16xf32>
        %parallel_loop3A_365 = arith.select %parallel_loop3A_362, %parallel_loop3A_361, %parallel_loop3A_364 : vector<16xi1>, vector<16xf32>
        %parallel_loop3A_366 = arith.index_cast %parallel_loop3A_359 : i32 to index
        %parallel_loop3A_367 = tpu.vector_load %arg23[%parallel_loop3A_366] {strides = array<i32>} : memref<4096xf32, #tpu.memory_space<vmem>>, vector<16xf32>,
        tpu.vector_store %arg23[%parallel_loop3A_366], %parallel_loop3A_365 {strides = array<i32>} : memref<4096xf32, #tpu.memory_space<vmem>>, vector<16xf32>,
      } {sc.loop_unroll_factor = 8 : i64, sc.parallel_access}
      %add3A_349 = arith.addi %mul3A_32, %add3A_301 : i32
      %dma_start3A_350 = tpu.memref_slice %arg5[%add3A_349, %mul3A_34] : memref<128x32768xf32, #tpu.memory_space<hbm>> -> memref<1x4096xf32, #tpu.memory_space<hbm>>
      %dma_start3A_351 = tpu.memref_squeeze %dma_start3A_350 : memref<1x4096xf32, #tpu.memory_space<hbm>> -> memref<4096xf32, #tpu.memory_space<hbm>>
      %dma_start3A_352 = tpu.memref_slice %arg5[%add3A_349, %mul3A_34] : memref<128x32768xf32, #tpu.memory_space<hbm>> -> memref<1x4096xf32, #tpu.memory_space<hbm>>
      %dma_start3A_353 = tpu.memref_squeeze %dma_start3A_352 : memref<1x4096xf32, #tpu.memory_space<hbm>> -> memref<4096xf32, #tpu.memory_space<hbm>>
      tpu.enqueue_dma source(%arg19 : memref<4096xf32, #tpu.memory_space<vmem>>) target(%dma_start3A_353 : memref<4096xf32, #tpu.memory_space<hbm>>) target_semaphore(%arg31 : memref<!tpu.dma_semaphore, #tpu.memory_space<semaphore_mem>>)
      %add3A_354 = arith.addi %mul3A_32, %add3A_301 : i32
      %dma_start3A_355 = tpu.memref_slice %arg6[%add3A_354, %mul3A_34] : memref<128x32768xf32, #tpu.memory_space<hbm>> -> memref<1x4096xf32, #tpu.memory_space<hbm>>
      %dma_start3A_356 = tpu.memref_squeeze %dma_start3A_355 : memref<1x4096xf32, #tpu.memory_space<hbm>> -> memref<4096xf32, #tpu.memory_space<hbm>>
      %dma_start3A_357 = tpu.memref_slice %arg6[%add3A_354, %mul3A_34] : memref<128x32768xf32, #tpu.memory_space<hbm>> -> memref<1x4096xf32, #tpu.memory_space<hbm>>
      %dma_start3A_358 = tpu.memref_squeeze %dma_start3A_357 : memref<1x4096xf32, #tpu.memory_space<hbm>> -> memref<4096xf32, #tpu.memory_space<hbm>>
      tpu.enqueue_dma source(%arg23 : memref<4096xf32, #tpu.memory_space<vmem>>) target(%dma_start3A_358 : memref<4096xf32, #tpu.memory_space<hbm>>) target_semaphore(%arg31 : memref<!tpu.dma_semaphore, #tpu.memory_space<semaphore_mem>>)
    }
    %scan3A_74 = arith.constant 8 : i32
    %add3A_75 = arith.constant 0 : i32
    %add3A_76 = arith.addi %mul3A_32, %add3A_75 : i32
    %dma_wait3A = tpu.memref_slice %arg5[%add3A_76, %mul3A_34] : memref<128x32768xf32, #tpu.memory_space<hbm>> -> memref<1x4096xf32, #tpu.memory_space<hbm>>
    %dma_wait3A_77 = tpu.memref_squeeze %dma_wait3A : memref<1x4096xf32, #tpu.memory_space<hbm>> -> memref<4096xf32, #tpu.memory_space<hbm>>
    %dma_wait3A_78 = tpu.memref_slice %arg5[%add3A_76, %mul3A_34] : memref<128x32768xf32, #tpu.memory_space<hbm>> -> memref<1x4096xf32, #tpu.memory_space<hbm>>
    %dma_wait3A_79 = tpu.memref_squeeze %dma_wait3A_78 : memref<1x4096xf32, #tpu.memory_space<hbm>> -> memref<4096xf32, #tpu.memory_space<hbm>>
    tpu.wait_dma2 semaphore(%arg28 : memref<!tpu.dma_semaphore, #tpu.memory_space<semaphore_mem>>) src(%arg16 : memref<4096xf32, #tpu.memory_space<vmem>>) dst(%dma_wait3A_79 : memref<4096xf32, #tpu.memory_space<hbm>>)
    %add3A_80 = arith.constant 0 : i32
    %add3A_81 = arith.addi %mul3A_32, %add3A_80 : i32
    %dma_wait3A_82 = tpu.memref_slice %arg6[%add3A_81, %mul3A_34] : memref<128x32768xf32, #tpu.memory_space<hbm>> -> memref<1x4096xf32, #tpu.memory_space<hbm>>
    %dma_wait3A_83 = tpu.memref_squeeze %dma_wait3A_82 : memref<1x4096xf32, #tpu.memory_space<hbm>> -> memref<4096xf32, #tpu.memory_space<hbm>>
    %dma_wait3A_84 = tpu.memref_slice %arg6[%add3A_81, %mul3A_34] : memref<128x32768xf32, #tpu.memory_space<hbm>> -> memref<1x4096xf32, #tpu.memory_space<hbm>>
    %dma_wait3A_85 = tpu.memref_squeeze %dma_wait3A_84 : memref<1x4096xf32, #tpu.memory_space<hbm>> -> memref<4096xf32, #tpu.memory_space<hbm>>
    tpu.wait_dma2 semaphore(%arg28 : memref<!tpu.dma_semaphore, #tpu.memory_space<semaphore_mem>>) src(%arg20 : memref<4096xf32, #tpu.memory_space<vmem>>) dst(%dma_wait3A_85 : memref<4096xf32, #tpu.memory_space<hbm>>)
    %add3A_86 = arith.constant 0 : i32
    %add3A_87 = arith.addi %mul3A_32, %add3A_86 : i32
    %dma_wait3A_88 = tpu.memref_slice %arg5[%add3A_87, %mul3A_34] : memref<128x32768xf32, #tpu.memory_space<hbm>> -> memref<1x4096xf32, #tpu.memory_space<hbm>>
    %dma_wait3A_89 = tpu.memref_squeeze %dma_wait3A_88 : memref<1x4096xf32, #tpu.memory_space<hbm>> -> memref<4096xf32, #tpu.memory_space<hbm>>
    %dma_wait3A_90 = tpu.memref_slice %arg5[%add3A_87, %mul3A_34] : memref<128x32768xf32, #tpu.memory_space<hbm>> -> memref<1x4096xf32, #tpu.memory_space<hbm>>
    %dma_wait3A_91 = tpu.memref_squeeze %dma_wait3A_90 : memref<1x4096xf32, #tpu.memory_space<hbm>> -> memref<4096xf32, #tpu.memory_space<hbm>>
    tpu.wait_dma2 semaphore(%arg29 : memref<!tpu.dma_semaphore, #tpu.memory_space<semaphore_mem>>) src(%arg17 : memref<4096xf32, #tpu.memory_space<vmem>>) dst(%dma_wait3A_91 : memref<4096xf32, #tpu.memory_space<hbm>>)
    %add3A_92 = arith.constant 0 : i32
    %add3A_93 = arith.addi %mul3A_32, %add3A_92 : i32
    %dma_wait3A_94 = tpu.memref_slice %arg6[%add3A_93, %mul3A_34] : memref<128x32768xf32, #tpu.memory_space<hbm>> -> memref<1x4096xf32, #tpu.memory_space<hbm>>
    %dma_wait3A_95 = tpu.memref_squeeze %dma_wait3A_94 : memref<1x4096xf32, #tpu.memory_space<hbm>> -> memref<4096xf32, #tpu.memory_space<hbm>>
    %dma_wait3A_96 = tpu.memref_slice %arg6[%add3A_93, %mul3A_34] : memref<128x32768xf32, #tpu.memory_space<hbm>> -> memref<1x4096xf32, #tpu.memory_space<hbm>>
    %dma_wait3A_97 = tpu.memref_squeeze %dma_wait3A_96 : memref<1x4096xf32, #tpu.memory_space<hbm>> -> memref<4096xf32, #tpu.memory_space<hbm>>
    tpu.wait_dma2 semaphore(%arg29 : memref<!tpu.dma_semaphore, #tpu.memory_space<semaphore_mem>>) src(%arg21 : memref<4096xf32, #tpu.memory_space<vmem>>) dst(%dma_wait3A_97 : memref<4096xf32, #tpu.memory_space<hbm>>)
    %add3A_98 = arith.constant 0 : i32
    %add3A_99 = arith.addi %mul3A_32, %add3A_98 : i32
    %dma_wait3A_100 = tpu.memref_slice %arg5[%add3A_99, %mul3A_34] : memref<128x32768xf32, #tpu.memory_space<hbm>> -> memref<1x4096xf32, #tpu.memory_space<hbm>>
    %dma_wait3A_101 = tpu.memref_squeeze %dma_wait3A_100 : memref<1x4096xf32, #tpu.memory_space<hbm>> -> memref<4096xf32, #tpu.memory_space<hbm>>
    %dma_wait3A_102 = tpu.memref_slice %arg5[%add3A_99, %mul3A_34] : memref<128x32768xf32, #tpu.memory_space<hbm>> -> memref<1x4096xf32, #tpu.memory_space<hbm>>
    %dma_wait3A_103 = tpu.memref_squeeze %dma_wait3A_102 : memref<1x4096xf32, #tpu.memory_space<hbm>> -> memref<4096xf32, #tpu.memory_space<hbm>>
    tpu.wait_dma2 semaphore(%arg30 : memref<!tpu.dma_semaphore, #tpu.memory_space<semaphore_mem>>) src(%arg18 : memref<4096xf32, #tpu.memory_space<vmem>>) dst(%dma_wait3A_103 : memref<4096xf32, #tpu.memory_space<hbm>>)
    %add3A_104 = arith.constant 0 : i32
    %add3A_105 = arith.addi %mul3A_32, %add3A_104 : i32
    %dma_wait3A_106 = tpu.memref_slice %arg6[%add3A_105, %mul3A_34] : memref<128x32768xf32, #tpu.memory_space<hbm>> -> memref<1x4096xf32, #tpu.memory_space<hbm>>
    %dma_wait3A_107 = tpu.memref_squeeze %dma_wait3A_106 : memref<1x4096xf32, #tpu.memory_space<hbm>> -> memref<4096xf32, #tpu.memory_space<hbm>>
    %dma_wait3A_108 = tpu.memref_slice %arg6[%add3A_105, %mul3A_34] : memref<128x32768xf32, #tpu.memory_space<hbm>> -> memref<1x4096xf32, #tpu.memory_space<hbm>>
    %dma_wait3A_109 = tpu.memref_squeeze %dma_wait3A_108 : memref<1x4096xf32, #tpu.memory_space<hbm>> -> memref<4096xf32, #tpu.memory_space<hbm>>
    tpu.wait_dma2 semaphore(%arg30 : memref<!tpu.dma_semaphore, #tpu.memory_space<semaphore_mem>>) src(%arg22 : memref<4096xf32, #tpu.memory_space<vmem>>) dst(%dma_wait3A_109 : memref<4096xf32, #tpu.memory_space<hbm>>)
    %add3A_110 = arith.constant 0 : i32
    %add3A_111 = arith.addi %mul3A_32, %add3A_110 : i32
    %dma_wait3A_112 = tpu.memref_slice %arg5[%add3A_111, %mul3A_34] : memref<128x32768xf32, #tpu.memory_space<hbm>> -> memref<1x4096xf32, #tpu.memory_space<hbm>>
    %dma_wait3A_113 = tpu.memref_squeeze %dma_wait3A_112 : memref<1x4096xf32, #tpu.memory_space<hbm>> -> memref<4096xf32, #tpu.memory_space<hbm>>
    %dma_wait3A_114 = tpu.memref_slice %arg5[%add3A_111, %mul3A_34] : memref<128x32768xf32, #tpu.memory_space<hbm>> -> memref<1x4096xf32, #tpu.memory_space<hbm>>
    %dma_wait3A_115 = tpu.memref_squeeze %dma_wait3A_114 : memref<1x4096xf32, #tpu.memory_space<hbm>> -> memref<4096xf32, #tpu.memory_space<hbm>>
    tpu.wait_dma2 semaphore(%arg31 : memref<!tpu.dma_semaphore, #tpu.memory_space<semaphore_mem>>) src(%arg19 : memref<4096xf32, #tpu.memory_space<vmem>>) dst(%dma_wait3A_115 : memref<4096xf32, #tpu.memory_space<hbm>>)
    %add3A_116 = arith.constant 0 : i32
    %add3A_117 = arith.addi %mul3A_32, %add3A_116 : i32
    %dma_wait3A_118 = tpu.memref_slice %arg6[%add3A_117, %mul3A_34] : memref<128x32768xf32, #tpu.memory_space<hbm>> -> memref<1x4096xf32, #tpu.memory_space<hbm>>
    %dma_wait3A_119 = tpu.memref_squeeze %dma_wait3A_118 : memref<1x4096xf32, #tpu.memory_space<hbm>> -> memref<4096xf32, #tpu.memory_space<hbm>>
    %dma_wait3A_120 = tpu.memref_slice %arg6[%add3A_117, %mul3A_34] : memref<128x32768xf32, #tpu.memory_space<hbm>> -> memref<1x4096xf32, #tpu.memory_space<hbm>>
    %dma_wait3A_121 = tpu.memref_squeeze %dma_wait3A_120 : memref<1x4096xf32, #tpu.memory_space<hbm>> -> memref<4096xf32, #tpu.memory_space<hbm>>
    tpu.wait_dma2 semaphore(%arg31 : memref<!tpu.dma_semaphore, #tpu.memory_space<semaphore_mem>>) src(%arg23 : memref<4096xf32, #tpu.memory_space<vmem>>) dst(%dma_wait3A_121 : memref<4096xf32, #tpu.memory_space<hbm>>)
    return
  }
}

</mosaic_0001>

<sc_bundles>
// kernel: kernel.3.cloned.1.call-start
scs
__scs_entry_jumppad:
0x0: {  	(pc) =	sbr.rel $0x88, $3  }
0x1: {  	(tag) =	ssettag $0x0;
	lr =	simm.s32 $0x1  }
0x2: {  	[smem:$0x3F9E] =	sst lr;
	_ =	strace $0xD0000000  }
0x3: {  	_ = 	snop  }
0x4: {  	_ = 	snop  }
0x5: {  	_ = 	snop  }
0x6: {  	_ = 	snop  }
0x7: {  	_ = 	snop  }
__scs_overlays_trampoline_lowered:
0x8: {  	[smem:$0x3FAD] =	sst s0  }
0x9: {  	[smem:$0x3FAE] =	sst s1  }
0xa: {  	[smem:$0x3FAF] =	sst s2  }
0xb: {  	[smem:$0x3FB0] =	sst s3  }
0xc: {  	[smem:$0x3FB1] =	sst s4  }
0xd: {  	[smem:$0x3FB2] =	sst s5  }
0xe: {  	[smem:$0x3FB3] =	sst s6  }
0xf: {  	[smem:$0x3FB4] =	sst s7  }
0x10: {  	[smem:$0x3FB5] =	sst s8  }
0x11: {  	[smem:$0x3FB6] =	sst s9;
	s0 =	simm.s32 @!p0 $0x0  }
0x12: {  	s1 =	sld [smem:$0x3F9C];
	s0 =	simm.s32 @p0 $0x1  }
0x13: {  	[smem:$0x3FB7] =	sst s0;
	s0 =	simm.s32 @!p1 $0x0  }
0x14: {  	s2 =	sld [smem:$0x3F9B];
	s0 =	simm.s32 @p1 $0x1  }
0x15: {  	[smem:$0x3FB8] =	sst s0;
	s0 =	simm.s32 @!p2 $0x0  }
0x16: {  	s3 =	sld [smem:$0x3FDB];
	s0 =	simm.s32 @p2 $0x1  }
0x17: {  	s4 =	simm.s32 $0x1BF5;
	[smem:$0x3FBA] =	sst s0  }
0x18: {  	s0 =	sld [smem:$0x3F9D];
	_ =	swait.ge [sflag:s4], $0x0  }
0x19: {  	s7 =	sld [smem:$0x3F9E]  }
0x1a: {  	s8 =	sadd.s32 $0xFFFFE003, lr  }
0x1b: {  	s9 =	sadd.s32 $0xFFFFFEF7, lr;
	s5 =	simm.s32 $0xFFFFFFFF;
	p2 =	slt.u32 s8, $0xFFFFF086  }
0x1c: {  	p1 =	slt.u32 s9, $0xF7A;
	s5 =	simm.s32 @!p2 $0x0  }
0x1d: {  	s5 =	simm.s32 @p1 $0x1;
	p0 =	seq.s32 s7, s2  }
0x1e: {  	s7 =	smul.u32 @!p0 $0xF7A, s2;
	p2 =	seq.s32 @!p0 s5, $0x0  }
0x1f: {  	s9 =	smul.u32 $0xF7A, s1;
	s8 =	simm.s32 @!p0 $0x1BF5;
	p2 =	por !p2, p0  }
0x20: {  	[sflag:s8] =	ssyncset.s32 @!p0 $0xFFFFF086;
	s6 =	sadd.s32 @!p0 s3, s7;
	s7 =	simm.s32 @!p0 $0x108  }
0x21: {  	s3 =	sadd.s32 s3, s9;
	s6 =	sadd.s32 @!p0 $0x88, s6;
	s7 =	simm.s32 @p2 $0x1082  }
0x22: {  	[simem:s7], [sflag:s8] =	dma.local @!p0 [hbm:s6], $0xF7A  }
0x23: {  	s9 =	sor.u32 $0xD0000000, s2;
	s6 =	simm.s32 $0x108;
	_ =	swait.ge @!p0 [sflag:s8], $0x0  }
0x24: {  	s3 =	sadd.s32 $0x88, s3;
	s6 =	simm.s32 @!p1 $0x1082;
	[sflag:s4] =	ssyncset.s32 $0xFFFFF086  }
0x25: {  	[simem:s6], [sflag:s4] =	dma.local [hbm:s3], $0xF7A  }
0x26: {  	[smem:$0x3F9E] =	sst s1;
	(tag) =	ssettag s2;
	_ =	strace s9  }
0x27: {  	s1 =	sld [smem:$0x3FAE]  }
0x28: {  	s2 =	sld [smem:$0x3FAF]  }
0x29: {  	s4 =	sld [smem:$0x3FB1]  }
0x2a: {  	p0 =	seq.s32 s5, $0x0;
	s5 =	sld [smem:$0x3FB2]  }
0x2b: {  	s6 =	sld [smem:$0x3FB3]  }
0x2c: {  	s7 =	sld [smem:$0x3FB4]  }
0x2d: {  	s3 =	simm.s32 $0x108;
	s8 =	sld [smem:$0x3FB5]  }
0x2e: {  	s3 =	simm.s32 @!p0 $0x1082;
	s9 =	sld [smem:$0x3FB6]  }
0x2f: {  	lr =	sadd.s32 s0, s3;
	s0 =	sld [smem:$0x3FAD]  }
0x30: {  	s3 =	sld [smem:$0x3FB0]  }
0x31: {  	[smem:$0x3FB9] =	sst s10  }
0x32: {  	s10 =	sld [smem:$0x3FB7];
	_ =	sdelay $0x3  }
0x33: {  	p0 =	seq.s32 s10, $0x1;
	s10 =	sld [smem:$0x3FB9];
	_ =	sdelay $0x3  }
0x34: {  	[smem:$0x3FB9] =	sst s10  }
0x35: {  	s10 =	sld [smem:$0x3FB8];
	_ =	sdelay $0x3  }
0x36: {  	p1 =	seq.s32 s10, $0x1;
	s10 =	sld [smem:$0x3FB9];
	_ =	sdelay $0x3  }
0x37: {  	[smem:$0x3FB9] =	sst s10  }
0x38: {  	s10 =	sld [smem:$0x3FBA]  }
0x39: {  	_ = 	snop;
	(pc) =	sbr.ind lr, $3  }
0x3a: {  	_ = 	snop  }
0x3b: {  	_ = 	snop  }
0x3c: {  	p2 =	seq.s32 s10, $0x1;
	s10 =	sld [smem:$0x3FB9]  }
0x3d: {  	_ =	shalt  }
0x3e: {  	_ =	shalt  }
0x3f: {  	_ =	shalt  }
0x40: {  	_ =	shalt  }
0x41: {  	_ =	shalt  }
0x42: {  	_ =	shalt  }
0x43: {  	_ =	shalt  }
0x44: {  	_ =	shalt  }
0x45: {  	_ =	shalt  }
0x46: {  	_ =	shalt  }
0x47: {  	_ =	shalt  }
0x48: {  	_ =	shalt  }
0x49: {  	_ =	shalt  }
0x4a: {  	_ =	shalt  }
0x4b: {  	_ =	shalt  }
0x4c: {  	_ =	shalt  }
0x4d: {  	_ =	shalt  }
0x4e: {  	_ =	shalt  }
0x4f: {  	_ =	shalt  }
0x50: {  	_ =	shalt  }
0x51: {  	_ =	shalt  }
0x52: {  	_ =	shalt  }
0x53: {  	_ =	shalt  }
0x54: {  	_ =	shalt  }
0x55: {  	_ =	shalt  }
0x56: {  	_ =	shalt  }
0x57: {  	_ =	shalt  }
0x58: {  	_ =	shalt  }
0x59: {  	_ =	shalt  }
0x5a: {  	_ =	shalt  }
0x5b: {  	_ =	shalt  }
0x5c: {  	_ =	shalt  }
0x5d: {  	_ =	shalt  }
0x5e: {  	_ =	shalt  }
0x5f: {  	_ =	shalt  }
0x60: {  	_ =	shalt  }
0x61: {  	_ =	shalt  }
0x62: {  	_ =	shalt  }
0x63: {  	_ =	shalt  }
0x64: {  	_ =	shalt  }
0x65: {  	_ =	shalt  }
0x66: {  	_ =	shalt  }
0x67: {  	_ =	shalt  }
0x68: {  	_ =	shalt  }
0x69: {  	_ =	shalt  }
0x6a: {  	_ =	shalt  }
0x6b: {  	_ =	shalt  }
0x6c: {  	_ =	shalt  }
0x6d: {  	_ =	shalt  }
0x6e: {  	_ =	shalt  }
0x6f: {  	_ =	shalt  }
0x70: {  	_ =	shalt  }
0x71: {  	_ =	shalt  }
0x72: {  	_ =	shalt  }
0x73: {  	_ =	shalt  }
0x74: {  	_ =	shalt  }
0x75: {  	_ =	shalt  }
0x76: {  	_ =	shalt  }
0x77: {  	_ =	shalt  }
0x78: {  	_ =	shalt  }
0x79: {  	_ =	shalt  }
0x7a: {  	_ =	shalt  }
0x7b: {  	_ =	shalt  }
0x7c: {  	_ =	shalt  }
0x7d: {  	_ =	shalt  }
0x7e: {  	_ =	shalt  }
0x7f: {  	_ =	shalt  }
0x80: {  	_ =	shalt  }
0x81: {  	_ =	shalt  }
0x82: {  	_ =	shalt  }
0x83: {  	_ =	shalt  }
0x84: {  	_ =	shalt  }
0x85: {  	_ =	shalt  }
0x86: {  	_ =	shalt  }
0x87: {  	_ =	shalt  }
.Lfunc_end0:
.L_simem_size_0:
called_computation_lowered:
.L_overlay_start_0:
0x88: {  	s2 =	sld [smem:$0x3FD9]  }
0x89: {  	s3 =	sld [smem:$0x3FFE];
	_ =	sdelay $0x1  }
0x8a: {  	s1 =	srdreg.scid  }
0x8b: {  	s0 =	sand.u32 $0x1, s1  }
0x8c: {  	s15 =	sshll.u32 s0, $0xA;
	s2 =	sadd.s32 s3, s2  }
0x8d: {  	s2 =	sadd.s32 s2, s15  }
0x8e: {  	[smem:$0x3FC5] =	sst s2  }
0x8f: {  	_ = 	snop  }
0x90: {  	s2 =	sld [smem:$0x3FD0]  }
0x91: {  	s16 =	sld [smem:$0x3FC9]  }
0x92: {  	s4 =	sld [smem:$0x3FC8]  }
0x93: {  	s6 =	simm.s32 $0xA;
	s7 =	simm.s32 $0x10;
	s5 =	sld [smem:$0x3FC7]  }
0x94: {  	[smem:s7], [sflag:s6] =	dma.local [hbm:s2], $0x1  }
0x95: {  	_ =	swait.eq [sflag:s6], $0x1  }
0x96: {  	[sflag:s6] =	ssyncset.done $0x0  }
0x97: {  	s17 =	sld [smem:$0x10];
	[sflag:s6] =	ssyncadd.s32 $0xFFFFFFFF  }
0x98: {  	s18 =	sld [smem:$0x11];
	(tm) =	ssettm $0x1  }
0x99: {  	s19 =	sld [smem:$0x3FFB];
	_ =	sdelay $0x3  }
0x9a: {  	_ =	strace s19  }
0x9b: {  	s7 =	sld [smem:$0x3FFC];
	_ =	sdelay $0x3  }
0x9c: {  	_ =	strace s7  }
0x9d: {  	s7 =	sld [smem:$0x3FFD];
	_ =	sdelay $0x3  }
0x9e: {  	_ =	strace s7  }
0x9f: {  	_ =	strace $0x8FFFFFFF  }
0xa0: {  	s20 =	sld [smem:$0x3FDB];
	_ =	sdelay $0x1  }
0xa1: {  	s8 =	simm.s32 $_scs_section_size  }
0xa2: {  	s9 =	simm.s32 $_size__tile_overlayer_lowered;
	s10 =	simm.s32 $_tile_overlayer_lowered  }
0xa3: {  	s23 =	simm.s32 $0x1BFF;
	s22 =	sshll.u32 s10, $0x1;
	s7 =	sadd.s32 s8, s20  }
0xa4: {  	s11 =	simm.s32 $0x0;
	s21 =	sshll.u32 s9, $0x1;
	s9 =	sadd.s32 s22, s7  }
0xa5: {  	[timem:s11], [sflag:s23] =	dma.local [hbm:s9], s21  }
0xa6: {  	_ =	swait.ge [sflag:s23], s21  }
0xa7: {  	s8 =	ssub.s32 $0x0, s21;
	[sflag:s23] =	ssyncset.done $0x0  }
0xa8: {  	[sflag:s23] =	ssyncadd.s32 s8;
	_ =	sdelay $0x1  }
0xa9: {  	s24 =	simm.s32 $0x1B8B  }
0xaa: {  	_ =	swait.ge [sflag:s24], $0x1  }
0xab: {  	[sflag:s24] =	ssyncset.done $0x0  }
0xac: {  	s25 =	simm.s32 $0x1B8E;
	[sflag:s24] =	ssyncadd.s32 $0xFFFFFFFF  }
0xad: {  	s26 =	simm.s32 $execute0_lowered;
	[smem:$0x3FD2] =	sst s25  }
0xae: {  	s8 =	sshll.u32 s26, $0x1;
	_ =	strace $0x80000046;
	[dreg:$0x1] =	wrdreg $0xFFFFFFFF  }
0xaf: {  	s28 =	simm.s32 $_size_execute0_lowered;
	s7 =	sadd.s32 s7, s8;
	[dreg:$0x0] =	wrdreg $0x0  }
0xb0: {  	s8 =	sshll.u32 s28, $0x1;
	[dreg:$0x2] =	wrdreg s7  }
0xb1: {  	[dreg:$0x3] =	wrdreg s8  }
0xb2: {  	[dreg:$0x4] =	wrdreg $0xC0  }
0xb3: {  	_ =	task [dreg:s11], $0x5FFFF  }
0xb4: {  	[dreg:$0x1] =	wrdreg $0xFFFFFFFF  }
0xb5: {  	[dreg:$0x0] =	wrdreg $0x60  }
0xb6: {  	[dreg:$0x2] =	wrdreg s16  }
0xb7: {  	[dreg:$0x3] =	wrdreg s4  }
0xb8: {  	[dreg:$0x4] =	wrdreg s5  }
0xb9: {  	[dreg:$0x5] =	wrdreg s17  }
0xba: {  	[dreg:$0x6] =	wrdreg s18  }
0xbb: {  	[dreg:$0x7] =	wrdreg $0x9  }
0xbc: {  	_ =	task.clear_ibuf [dreg:s11], $0x8FFFF;
	_ =	strace $0x90000046  }
0xbd: {  	s29 =	simm.s32 $0x9;
	_ =	strace $0x80000048  }
0xbe: {  	_ =	swait.ge [sflag:s29], $0x1  }
0xbf: {  	[sflag:s29] =	ssyncadd.s32 $0xFFFFFFFF  }
0xc0: {  	_ =	strace $0x90000048  }
0xc1: {  	_ =	sfence  }
0xc2: {  	s30 =	sld [smem:$0x0];
	_ =	sdelay $0x2  }
0xc3: {  	s31 =	sshll.u32 s1, $0xD;
	s1 =	sshrl.u32 s1, $0x2  }
0xc4: {  	s3 =	sand.u32 $0x4000, s31;
	s1 =	sadd.s32 s1, s30  }
0xc5: {  	s0 =	sor.u32 s3, s0;
	s1 =	sshll.u32 s1, $0x11  }
0xc6: {  	s0 =	sor.u32 s1, s0  }
0xc7: {  	s0 =	sadd.s32 $0x8F2B, s0  }
0xc8: {  	[sflag:s0] =	ssyncadd.remote.s32 $0x1  }
0xc9: {  	_ =	sfence.sel $0xFFFF  }
0xca: {  	[dreg:$0x0] =	wrdreg $0xFFFFFFFF;
	(pc) =	sbr.abs _section_cstart, $3  }
0xcb: {  	[dreg:$0x1] =	wrdreg $0xFFFFFFFF  }
0xcc: {  	_ =	task.clear_ibuf [dreg:s11], $0x2FFFF;
	_ =	strace $0x9FFFFFFF  }
0xcd: {  	(tm) =	ssettm $0x7FFFFFFF  }
tec
execute0_lowered:
.L_overlay_start_1:
0x0: {  	(tag) =	ssettag $0x1  }
0x1: {  	s0 =	rddreg [dreg:$0x0]  }
0x2: {  	s1 =	rddreg [dreg:$0x1]  }
0x3: {  	s2 =	rddreg [dreg:$0x2]  }
0x4: {  	s4 =	rddreg [dreg:$0x3]  }
0x5: {  	s3 =	srdreg.scid;
	s5 =	rddreg [dreg:$0x4]  }
0x6: {  	s7 =	stileid.u32;
	s8 =	simm.s32 $0x0;
	s19 =	simm.s32 $0x80  }
0x7: {  	s29 =	simm.s32 $0x8000;
	s30 =	simm.s32 $0x9000;
	s3 =	sand.u32 $0x1, s3  }
0x8: {  	s31 =	simm.s32 $0xD000;
	s12 =	simm.s32 $0x0;
	s6 =	sshll.u32 s3, $0x4  }
0x9: {  	[smem:$0x7FF] =	sst s8;
	s6 =	sor.u32 s7, s6;
	s7 =	sand.u32 $0x3, s7  }
0xa: {  	s8 =	simm.s32 $0x1;
	p0 =	seq.s32 s6, $0x0;
	p1 =	sne.s32 s7, $0x0  }
0xb: {  	_ =	strace $0x80000047;
	s3 =	ssub.s32 $0x2, s3;
	p0 =	por !p1, !p0  }
0xc: {  	s9 =	sshrl.u32 s3, $0x1;
	s6 =	sshrl.u32 s6, $0x2;
	p0 =	por !p0, !p0  }
0xd: {  	s7 =	sshll.u32 s7, $0x5;
	s3 =	ssub.s32 s3, s9;
	s8 =	simm.s32 @!p0 $0x0  }
0xe: {  	s28 =	smax.u32 s3, $0x1;
	s3 =	simm.s32 $0xA000;
	s6 =	ssub.s32 s6, s8  }
0xf: {  	[dreg:$0xd] =	wrdreg s28;
	s20 =	sshll.u32 s6, $0x9;
	s10 =	sadd.s32 s7, s6  }
0x10: {  	s8 =	simm.s32 $0x1;
	s11 =	sand.u32 $0x1FFFFE00, s20;
	s10 =	sshll.u32 s10, $0xC  }
0x11: {  	s9 =	sshll.u32 s6, $0xF;
	s2 =	sadd.s32 s2, s11;
	s21 =	sand.u32 $0x1FFFF000, s10  }
0x12: {  	s20 =	simm.s32 $0x400;
	[dreg:$0x6] =	wrdreg s2;
	s22 =	sadd.s32 s0, s21  }
0x13: {  	s23 =	sadd.s32 s1, s21;
	s24 =	sor.u32 $0x10, s21;
	[dreg:$0x7] =	wrdreg s22  }
0x14: {  	s2 =	sor.u32 $0x20, s21;
	[dreg:$0x8] =	wrdreg s23;
	s25 =	sadd.s32 s0, s24  }
0x15: {  	s21 =	simm.s32 $0xE000;
	s6 =	sadd.s32 s1, s24;
	[dreg:$0x9] =	wrdreg s25  }
0x16: {  	v0 =	vlaneseq.u32;
	s26 =	sadd.s32 s0, s2;
	s2 =	sadd.s32 s1, s2;
	[dreg:$0xa] =	wrdreg s6  }
0x17: {  	v1 =	vmul.u32 $0xFFFFFFFF, v0;
	s22 =	simm.s32 $0x3;
	s23 =	simm.s32 $0xB000;
	[dreg:$0xb] =	wrdreg s26  }
0x18: {  	s24 =	simm.s32 $0xF000;
	[dreg:$0xc] =	wrdreg s2;
	s2 =	simm.s32 $0x2  }
0x19: {  	v0 =	vimm.f32 $0.0e+00;
	v1 =	vadd.s32 $0xF, v1;
	s25 =	simm.s32 $0x4;
	s26 =	simm.s32 $0xC000;
	s6 =	simm.s32 $0x10000  }
.LBB2_1:
0x1a: {  	[dreg:$0xe] =	wrdreg s12  }
0x1b: {  	s10 =	simm.s32 $0x0;
	s11 =	rddreg [dreg:$0x6];
	s15 =	simm.s32 $0x9  }
0x1c: {  	[tilespmem:s10], [sflag:$0x9] =	stream.linear.gather [hbm4b:s11+s10], $0x1000, $0x38;
	[tilespmem:$0x11000] =	vst v63  }
0x1d: {  	_ =	swait.ge [sflag:s15], $0x1000  }
0x1e: {  	[sflag:s15] =	ssyncset.done $0x0  }
0x1f: {  	s17 =	simm.s32 $0x1000;
	s16 =	rddreg [dreg:$0x7];
	[sflag:s15] =	ssyncadd.s32 $0xFFFFF000  }
0x20: {  	[tilespmem:s17], [sflag:$0x1] =	stream.strided.gather [hbm4b:s16+s19], $0x1000, s20, s19, $0x38;
	[tilespmem:$0x11000] =	vst v63  }
0x21: {  	s28 =	simm.s32 $0x5000;
	s18 =	rddreg [dreg:$0x8]  }
0x22: {  	[tilespmem:s28], [sflag:$0x1] =	stream.strided.gather [hbm4b:s18+s19], $0x1000, s20, s19, $0x38;
	[tilespmem:$0x11000] =	vst v63  }
0x23: {  	s13 =	simm.s32 $0x2000;
	s12 =	rddreg [dreg:$0x9]  }
0x24: {  	[tilespmem:s13], [sflag:$0x2] =	stream.strided.gather [hbm4b:s12+s19], $0x1000, s20, s19, $0x38;
	[tilespmem:$0x11000] =	vst v63  }
0x25: {  	s14 =	rddreg [dreg:$0xa];
	s15 =	simm.s32 $0x6000  }
0x26: {  	[tilespmem:s15], [sflag:$0x2] =	stream.strided.gather [hbm4b:s14+s19], $0x1000, s20, s19, $0x38;
	[tilespmem:$0x11000] =	vst v63  }
0x27: {  	s16 =	rddreg [dreg:$0xb];
	s17 =	simm.s32 $0x3000  }
0x28: {  	[tilespmem:s17], [sflag:$0x3] =	stream.strided.gather [hbm4b:s16+s19], $0x1000, s20, s19, $0x38;
	[tilespmem:$0x11000] =	vst v63  }
0x29: {  	s18 =	rddreg [dreg:$0xc];
	s28 =	simm.s32 $0x7000;
	s15 =	simm.s32 $0x0  }
0x2a: {  	[tilespmem:s28], [sflag:$0x3] =	stream.strided.gather [hbm4b:s18+s19], $0x1000, s20, s19, $0x38;
	[tilespmem:$0x11000] =	vst v63  }
.LBB2_2:
0x2b: {  	s17 =	sshll.u32 s15, $0x2  }
0x2c: {  	s10 =	sadd.s32 s7, s17  }
0x2d: {  	s10 =	sshll.u32 s10, $0xF  }
0x2e: {  	s11 =	sshll.u32 s15, $0x9;
	s10 =	sand.u32 $0x3C0000, s10  }
0x2f: {  	s11 =	sand.u32 $0x200, s11;
	s10 =	sadd.s32 s9, s10  }
0x30: {  	s10 =	sor.u32 s10, s11  }
0x31: {  	s18 =	sshrl.u32 s10, $0x3  }
0x32: {  	s16 =	sor.u32 $0x30, s18  }
0x33: {  	s14 =	simm.s32 $0x4000;
	s13 =	sadd.s32 s0, s16  }
0x34: {  	[tilespmem:s14], [sflag:$0x4] =	stream.strided.gather [hbm4b:s13+s19], $0x1000, s20, s19, $0x38;
	[tilespmem:$0x11000] =	vst v63  }
0x35: {  	s12 =	sadd.s32 s1, s16  }
0x36: {  	[tilespmem:s29], [sflag:$0x4] =	stream.strided.gather [hbm4b:s12+s19], $0x1000, s20, s19, $0x38;
	[tilespmem:$0x11000] =	vst v63  }
0x37: {  	_ =	swait.ge [sflag:s8], $0x1000  }
0x38: {  	[sflag:s8] =	ssyncset.done $0x0  }
0x39: {  	[sflag:s8] =	ssyncadd.s32 $0xFFFFF000  }
0x3a: {  	_ =	swait.ge [sflag:s8], $0x1000  }
0x3b: {  	p0 =	seq.s32 s15, $0x0;
	[sflag:s8] =	ssyncset.done $0x0  }
0x3c: {  	s10 =	simm.s32 @!p0 $0x5;
	[sflag:s8] =	ssyncadd.s32 $0xFFFFF000  }
0x3d: {  	_ =	swait.ge @!p0 [sflag:s10], $0x1000  }
0x3e: {  	[sflag:s10] =	ssyncset.done @!p0 $0x0  }
0x3f: {  	[sflag:s10] =	ssyncadd.s32 @!p0 $0xFFFFF000  }
0x40: {  	_ =	swait.ge @!p0 [sflag:s10], $0x1000  }
0x41: {  	[sflag:s10] =	ssyncset.done @!p0 $0x0  }
0x42: {  	s13 =	simm.s32 $0x1040;
	[sflag:s10] =	ssyncadd.s32 @!p0 $0xFFFFF000  }
0x43: {  	v6 =	vld [tilespmem:s13+$0x10]  }
0x44: {  	v7 =	vld [tilespmem:s13+$0x20]  }
0x45: {  	v9 =	vld [tilespmem:s13+$0x30]  }
0x46: {  	s14 =	simm.s32 $0x40;
	v8 =	vld [tilespmem:s13+$0x0]  }
0x47: {  	s12 =	simm.s32 $0x5040;
	v10 =	vld [tilespmem:s14+$0x10]  }
0x48: {  	v11 =	vld [tilespmem:s12+$0x10]  }
0x49: {  	v12 =	vld [tilespmem:s14+$0x20]  }
0x4a: {  	v13 =	vld [tilespmem:s12+$0x20]  }
0x4b: {  	v14 =	vld [tilespmem:s14+$0x30]  }
0x4c: {  	v15 =	vld [tilespmem:s12+$0x30]  }
0x4d: {  	v16 =	vld [tilespmem:s14+$0x0]  }
0x4e: {  	v17 =	vld [tilespmem:s12+$0x0]  }
0x4f: {  	v18 =	vld [tilespmem:s13+$0xFFFFFFD0]  }
0x50: {  	v19 =	vld [tilespmem:s14+$0xFFFFFFF0]  }
0x51: {  	v20 =	vld [tilespmem:s13+$0xFFFFFFC0]  }
0x52: {  	v21 =	vld [tilespmem:s14+$0xFFFFFFE0]  }
0x53: {  	v22 =	vld [tilespmem:s14+$0xFFFFFFD0]  }
0x54: {  	v23 =	vld [tilespmem:s14+$0xFFFFFFC0]  }
0x55: {  	v24 =	vld [tilespmem:s12+$0xFFFFFFC0]  }
0x56: {  	v25 =	vld [tilespmem:s12+$0xFFFFFFD0]  }
0x57: {  	v26 =	vld [tilespmem:s12+$0xFFFFFFE0]  }
0x58: {  	v27 =	vld [tilespmem:s12+$0xFFFFFFF0]  }
0x59: {  	v28 =	vld [tilespmem:s13+$0xFFFFFFE0]  }
0x5a: {  	s28 =	simm.s32 $0x10C0;
	v29 =	vld [tilespmem:s13+$0xFFFFFFF0]  }
0x5b: {  	v5 =	vld [tilespmem:s28+$0x10]  }
0x5c: {  	v4 =	vld [tilespmem:s28+$0x20]  }
0x5d: {  	v2 =	vld [tilespmem:s28+$0x30]  }
0x5e: {  	v3 =	vld [tilespmem:s28+$0x0];
	s12 =	simm.s32 $0xC0  }
0x5f: {  	s13 =	simm.s32 $0x50C0;
	v30 =	vld [tilespmem:s12+$0x10]  }
0x60: {  	v31 =	vld [tilespmem:s13+$0x10];
	v10 =	vmul.f32 v11, v10;
	v11 =	vmul.f32 v24, v23  }
0x61: {  	v32 =	vld [tilespmem:s12+$0x30];
	v12 =	vmul.f32 v13, v12;
	v16 =	vmul.f32 v17, v16  }
0x62: {  	v33 =	vld [tilespmem:s13+$0xFFFFFFC0];
	v13 =	vmul.f32 v15, v14;
	v14 =	vmul.f32 v25, v22;
	v11 =	vadd.f32 v20, v11  }
0x63: {  	v15 =	vld [tilespmem:s12+$0x20];
	v17 =	vadd.f32 v6, v10;
	v6 =	vmul.f32 v26, v21;
	v21 =	vadd.f32 v8, v16  }
0x64: {  	v25 =	vld [tilespmem:s13+$0x20];
	v20 =	vadd.f32 v7, v12;
	v12 =	vadd.f32 v18, v14;
	vm0 =	vge.f32 v11, $1.000000000e+00  }
0x65: {  	v10 =	vmul.f32 v27, v19;
	v19 =	vld [tilespmem:s13+$0x30];
	vm12 =	vge.f32 v21, $1.000000000e+00;
	v16 =	vsel vm0, $0x3F800000, v0  }
0x66: {  	v7 =	vld [tilespmem:s12+$0x0];
	v6 =	vadd.f32 v28, v6;
	v28 =	vsel vm12, $0x3F800000, v0;
	v14 =	vsub.f32 v11, v16  }
0x67: {  	s11 =	simm.s32 $0x9040;
	v23 =	vimm.f32 $0.0e+00;
	v8 =	vld [tilespmem:s28+$0xFFFFFFD0];
	vm9 =	vge.f32 v12, $1.000000000e+00;
	v21 =	vsub.f32 v21, v28  }
0x68: {  	v22 =	vadd.f32 v29, v10;
	v10 =	vld [tilespmem:s13+$0x0];
	v11 =	vmax.f32 v23, v16;
	v23 =	vsel vm9, $0x3F800000, v0;
	[tilespmem:s11+$0xFFFFFFC0] =	vst v14  }
0x69: {  	s10 =	simm.s32 $0xD040;
	v27 =	vadd.f32 v9, v13;
	v29 =	vld [tilespmem:s12+$0xFFFFFFC0];
	vm10 =	vge.f32 v6, $1.000000000e+00;
	v12 =	vsub.f32 v12, v23;
	[tilespmem:s11+$0x0] =	vst v21  }
0x6a: {  	vm11 =	vge.f32 v22, $1.000000000e+00;
	v18 =	vmax.f32 v11, v23;
	v24 =	vsel vm10, $0x3F800000, v0;
	v11 =	vld [tilespmem:s12+$0xFFFFFFF0];
	[tilespmem:s10+$0xFFFFFFC0] =	vst v16  }
0x6b: {  	v13 =	vsel vm11, $0x3F800000, v0;
	v9 =	vmax.f32 v18, v24;
	v14 =	vld [tilespmem:s28+$0xFFFFFFC0];
	v6 =	vsub.f32 v6, v24;
	[tilespmem:s11+$0xFFFFFFD0] =	vst v12  }
0x6c: {  	vm13 =	vge.f32 v17, $1.000000000e+00;
	vm14 =	vge.f32 v20, $1.000000000e+00;
	v18 =	vld [tilespmem:s12+$0xFFFFFFD0];
	v9 =	vmax.f32 v9, v13;
	[tilespmem:s10+$0xFFFFFFD0] =	vst v23  }
0x6d: {  	v22 =	vsub.f32 v22, v13;
	v16 =	vld [tilespmem:s12+$0xFFFFFFE0];
	v12 =	vsel vm13, $0x3F800000, v0;
	v9 =	vmax.f32 v9, v28;
	[tilespmem:s11+$0xFFFFFFE0] =	vst v6  }
0x6e: {  	vm15 =	vge.f32 v27, $1.000000000e+00;
	v6 =	vmax.f32 v9, v12;
	[tilespmem:s10+$0xFFFFFFE0] =	vst v24;
	v9 =	vsel vm14, $0x3F800000, v0;
	v24 =	vld [tilespmem:s13+$0xFFFFFFD0]  }
0x6f: {  	[tilespmem:s11+$0xFFFFFFF0] =	vst v22;
	v23 =	vld [tilespmem:s13+$0xFFFFFFE0];
	v22 =	vmax.f32 v6, v9;
	v6 =	vsel vm15, $0x3F800000, v0  }
0x70: {  	v34 =	vsub.f32 v17, v12;
	[tilespmem:s10+$0xFFFFFFF0] =	vst v13;
	v13 =	vmax.f32 v22, v6;
	v22 =	vld [tilespmem:s13+$0xFFFFFFF0]  }
0x71: {  	v26 =	vmul.f32 v31, v30;
	v25 =	vmul.f32 v25, v15;
	[tilespmem:s10+$0x0] =	vst v28;
	v17 =	vsub.f32 v20, v9;
	v20 =	vld [tilespmem:s28+$0xFFFFFFE0]  }
0x72: {  	s14 =	simm.s32 $0x80;
	v19 =	vmul.f32 v19, v32;
	v21 =	vld [tilespmem:s28+$0xFFFFFFF0];
	s28 =	simm.s32 $0x1140;
	[tilespmem:s11+$0x10] =	vst v34;
	v15 =	vsub.f32 v27, v6;
	v27 =	vmul.f32 v33, v29  }
.LBB2_3:
0x73: {  	v18 =	vmul.f32 v24, v18;
	v7 =	vmul.f32 v10, v7;
	v24 =	vadd.f32 v5, v26;
	v5 =	vld [tilespmem:s28+$0x10];
	[tilespmem:s10+$0x10] =	vst v12  }
0x74: {  	v14 =	vadd.f32 v14, v27;
	v10 =	vmul.f32 v23, v16;
	v16 =	vadd.f32 v4, v25;
	v4 =	vld [tilespmem:s28+$0x20];
	[tilespmem:s11+$0x20] =	vst v17  }
0x75: {  	v17 =	vadd.f32 v8, v18;
	v8 =	vmul.f32 v22, v11;
	v18 =	vadd.f32 v2, v19;
	v2 =	vld [tilespmem:s28+$0x30];
	[tilespmem:s10+$0x20] =	vst v9  }
0x76: {  	s12 =	sadd.s32 $0x80, s12;
	v19 =	vadd.f32 v3, v7;
	vm0 =	vge.f32 v14, $1.000000000e+00;
	v11 =	vadd.f32 v20, v10;
	v3 =	vld [tilespmem:s28+$0x0];
	[tilespmem:s11+$0x30] =	vst v15  }
0x77: {  	s13 =	sadd.s32 $0x80, s13;
	v25 =	vld [tilespmem:s12+$0x10];
	v15 =	vsel vm0, $0x3F800000, v0;
	vm0 =	vge.f32 v17, $1.000000000e+00;
	v20 =	vadd.f32 v21, v8;
	[tilespmem:s10+$0x30] =	vst v6  }
0x78: {  	v21 =	vld [tilespmem:s13+$0x10];
	v6 =	vmax.f32 v13, v15;
	v22 =	vsel vm0, $0x3F800000, v0;
	vm0 =	vge.f32 v11, $1.000000000e+00  }
0x79: {  	v27 =	vld [tilespmem:s12+$0x20];
	v6 =	vmax.f32 v6, v22;
	v23 =	vsel vm0, $0x3F800000, v0;
	vm0 =	vge.f32 v20, $1.000000000e+00  }
0x7a: {  	v28 =	vld [tilespmem:s13+$0x20];
	v6 =	vmax.f32 v6, v23;
	v26 =	vsel vm0, $0x3F800000, v0;
	vm0 =	vge.f32 v19, $1.000000000e+00  }
0x7b: {  	v29 =	vld [tilespmem:s12+$0x30];
	v6 =	vmax.f32 v6, v26;
	v30 =	vsel vm0, $0x3F800000, v0;
	vm0 =	vge.f32 v24, $1.000000000e+00  }
0x7c: {  	v31 =	vld [tilespmem:s13+$0x30];
	v6 =	vmax.f32 v6, v30;
	v12 =	vsel vm0, $0x3F800000, v0;
	vm0 =	vge.f32 v16, $1.000000000e+00  }
0x7d: {  	v7 =	vld [tilespmem:s12+$0x0];
	v6 =	vmax.f32 v6, v12;
	v9 =	vsel vm0, $0x3F800000, v0;
	vm0 =	vge.f32 v18, $1.000000000e+00  }
0x7e: {  	v14 =	vsub.f32 v14, v15;
	v10 =	vld [tilespmem:s13+$0x0];
	v13 =	vmax.f32 v6, v9;
	v6 =	vsel vm0, $0x3F800000, v0  }
0x7f: {  	s11 =	sadd.s32 $0x80, s11;
	v32 =	vsub.f32 v17, v22;
	v33 =	vsub.f32 v11, v23;
	v8 =	vld [tilespmem:s28+$0xFFFFFFD0];
	v13 =	vmax.f32 v13, v6  }
0x80: {  	s10 =	sadd.s32 $0x80, s10;
	v20 =	vsub.f32 v20, v26;
	v19 =	vsub.f32 v19, v30;
	v11 =	vld [tilespmem:s12+$0xFFFFFFF0];
	[tilespmem:s11+$0xFFFFFFC0] =	vst v14  }
0x81: {  	v34 =	vsub.f32 v24, v12;
	v17 =	vsub.f32 v16, v9;
	v14 =	vld [tilespmem:s28+$0xFFFFFFC0];
	[tilespmem:s10+$0xFFFFFFC0] =	vst v15  }
0x82: {  	v15 =	vsub.f32 v18, v6;
	v16 =	vld [tilespmem:s12+$0xFFFFFFE0];
	[tilespmem:s11+$0xFFFFFFD0] =	vst v32  }
0x83: {  	v18 =	vld [tilespmem:s12+$0xFFFFFFD0];
	[tilespmem:s10+$0xFFFFFFD0] =	vst v22  }
0x84: {  	s14 =	sadd.s32 $0x80, s14;
	v32 =	vld [tilespmem:s12+$0xFFFFFFC0];
	[tilespmem:s11+$0xFFFFFFE0] =	vst v33  }
0x85: {  	p1 =	slt.u32 s14, $0xF80;
	v33 =	vld [tilespmem:s13+$0xFFFFFFC0];
	[tilespmem:s10+$0xFFFFFFE0] =	vst v23  }
.Ltmp0:
0x86: {  	v24 =	vld [tilespmem:s13+$0xFFFFFFD0];
	[tilespmem:s11+$0xFFFFFFF0] =	vst v20;
	(pc) =	sbr.rel @p1 .LBB2_3-.Ltmp0, $4  }
0x87: {  	v23 =	vld [tilespmem:s13+$0xFFFFFFE0];
	[tilespmem:s10+$0xFFFFFFF0] =	vst v26  }
0x88: {  	v22 =	vld [tilespmem:s13+$0xFFFFFFF0];
	[tilespmem:s11+$0x0] =	vst v19  }
0x89: {  	v26 =	vmul.f32 v21, v25;
	v25 =	vmul.f32 v28, v27;
	v20 =	vld [tilespmem:s28+$0xFFFFFFE0];
	[tilespmem:s10+$0x0] =	vst v30  }
0x8a: {  	v19 =	vmul.f32 v31, v29;
	v27 =	vmul.f32 v33, v32;
	v21 =	vld [tilespmem:s28+$0xFFFFFFF0];
	s28 =	sadd.s32 $0x80, s28;
	[tilespmem:s11+$0x10] =	vst v34  }
0x8b: {  	v18 =	vmul.f32 v24, v18;
	v5 =	vadd.f32 v5, v26  }
0x8c: {  	v7 =	vmul.f32 v10, v7;
	v4 =	vadd.f32 v4, v25;
	v10 =	vadd.f32 v14, v27  }
0x8d: {  	v58 =	vmul.f32 v23, v16;
	v2 =	vadd.f32 v2, v19;
	v8 =	vadd.f32 v8, v18  }
0x8e: {  	v11 =	vmul.f32 v22, v11;
	v3 =	vadd.f32 v3, v7;
	vm0 =	vge.f32 v10, $1.000000000e+00  }
0x8f: {  	v14 =	vadd.f32 v20, v58;
	v7 =	vsel vm0, $0x3F800000, v0;
	vm0 =	vge.f32 v8, $1.000000000e+00  }
0x90: {  	[tilespmem:s10+$0x10] =	vst v12;
	v11 =	vadd.f32 v21, v11;
	v59 =	vmax.f32 v13, v7;
	v60 =	vsel vm0, $0x3F800000, v0  }
0x91: {  	[tilespmem:s11+$0x20] =	vst v17;
	vm0 =	vge.f32 v14, $1.000000000e+00;
	v10 =	vsub.f32 v10, v7;
	v12 =	vmax.f32 v59, v60  }
0x92: {  	[tilespmem:s11+$0x30] =	vst v15;
	v61 =	vsel vm0, $0x3F800000, v0;
	vm0 =	vge.f32 v11, $1.000000000e+00;
	v8 =	vsub.f32 v8, v60  }
0x93: {  	[tilespmem:s10+$0x20] =	vst v9;
	v9 =	vmax.f32 v12, v61;
	v62 =	vsel vm0, $0x3F800000, v0;
	vm0 =	vge.f32 v3, $1.000000000e+00  }
0x94: {  	s14 =	sadd.s32 $0x80, s11;
	[tilespmem:s10+$0x30] =	vst v6;
	v9 =	vmax.f32 v9, v62;
	v63 =	vsel vm0, $0x3F800000, v0;
	vm0 =	vge.f32 v5, $1.000000000e+00  }
0x95: {  	s28 =	sadd.s32 $0x80, s10;
	[tilespmem:s14+$0xFFFFFFC0] =	vst v10;
	v6 =	vmax.f32 v9, v63;
	v9 =	vsel vm0, $0x3F800000, v0;
	vm0 =	vge.f32 v4, $1.000000000e+00  }
0x96: {  	[tilespmem:s28+$0xFFFFFFC0] =	vst v7;
	v6 =	vmax.f32 v6, v9;
	v10 =	vsel vm0, $0x3F800000, v0;
	vm0 =	vge.f32 v2, $1.000000000e+00  }
0x97: {  	v14 =	vsub.f32 v14, v61;
	[tilespmem:s14+$0xFFFFFFD0] =	vst v8;
	v6 =	vmax.f32 v6, v10;
	v7 =	vsel vm0, $0x3F800000, v0  }
0x98: {  	[tilespmem:s28+$0xFFFFFFD0] =	vst v60;
	v6 =	vmax.f32 v6, v7  }
0x99: {  	v8 =	vsub.f32 v11, v62;
	[tilespmem:s14+$0xFFFFFFE0] =	vst v14;
	(xrf0) =	vmax.scan.msk.f32 $0xffff, v6  }
0x9a: {  	[tilespmem:s28+$0xFFFFFFE0] =	vst v61  }
0x9b: {  	v3 =	vsub.f32 v3, v63;
	[tilespmem:s14+$0xFFFFFFF0] =	vst v8  }
0x9c: {  	[tilespmem:s28+$0xFFFFFFF0] =	vst v62  }
0x9d: {  	v5 =	vsub.f32 v5, v9;
	[tilespmem:s14+$0x0] =	vst v3  }
0x9e: {  	[tilespmem:s28+$0x0] =	vst v63  }
0x9f: {  	v3 =	vsub.f32 v4, v10;
	[tilespmem:s14+$0x10] =	vst v5;
	v4, _, _ =	vpop (xrf0)  }
0xa0: {  	[tilespmem:s28+$0x10] =	vst v9;
	v5 =	vperm.xlane v4, v1  }
0xa1: {  	v2 =	vsub.f32 v2, v7;
	[tilespmem:s14+$0x20] =	vst v3  }
0xa2: {  	[tilespmem:s28+$0x20] =	vst v10;
	v3 =	vmax.f32 v4, v5  }
0xa3: {  	[tilespmem:s14+$0x30] =	vst v2;
	(xrf0) =	vmax.scan.msk.f32 $0xffff, v3  }
0xa4: {  	s10 =	simm.s32 $0xD040;
	[tilespmem:s28+$0x30] =	vst v7  }
0xa5: {  	v6 =	vld [tilespmem:s10+$0x30]  }
0xa6: {  	v9 =	vld [tilespmem:s10+$0xFFFFFFD0]  }
0xa7: {  	v8 =	vld [tilespmem:s10+$0xFFFFFFE0]  }
0xa8: {  	v7 =	vld [tilespmem:s10+$0xFFFFFFF0]  }
0xa9: {  	v5 =	vld [tilespmem:s10+$0x0];
	v2, _, _ =	vpop (xrf0)  }
0xaa: {  	v4 =	vld [tilespmem:s10+$0x10];
	vm0 =	vge.f32 v6, v2  }
0xab: {  	v3 =	vld [tilespmem:s10+$0x20];
	vm1 =	vge.f32 v9, v2;
	v10 =	vnsel vm0, $0x0, v6  }
0xac: {  	s11 =	simm.s32 $0x0;
	s12 =	simm.s32 $0xD0C0;
	v6 =	vld [tilespmem:s10+$0xFFFFFFC0];
	v9 =	vnsel vm1, $0x0, v9;
	vm0 =	vge.f32 v8, v2;
	[tilespmem:s10+$0x30] =	vst v10  }
.LBB2_5:
0xad: {  	v10 =	vld [tilespmem:s12+$0x30];
	s11 =	sadd.s32 $0x80, s11;
	[tilespmem:s10+$0xFFFFFFD0] =	vst v9;
	v8 =	vnsel vm0, $0x0, v8;
	vm0 =	vge.f32 v7, v2  }
0xae: {  	v9 =	vld [tilespmem:s12+$0xFFFFFFD0];
	p1 =	slt.u32 s11, $0xF80;
	[tilespmem:s10+$0xFFFFFFE0] =	vst v8;
	v7 =	vnsel vm0, $0x0, v7;
	vm0 =	vge.f32 v5, v2  }
0xaf: {  	v8 =	vld [tilespmem:s12+$0xFFFFFFE0];
	[tilespmem:s10+$0xFFFFFFF0] =	vst v7;
	v5 =	vnsel vm0, $0x0, v5;
	vm0 =	vge.f32 v4, v2  }
.Ltmp1:
0xb0: {  	v7 =	vld [tilespmem:s12+$0xFFFFFFF0];
	[tilespmem:s10+$0x0] =	vst v5;
	v4 =	vnsel vm0, $0x0, v4;
	vm0 =	vge.f32 v3, v2;
	(pc) =	sbr.rel @p1 .LBB2_5-.Ltmp1, $4  }
0xb1: {  	v5 =	vld [tilespmem:s12+$0x0];
	vm1 =	vge.f32 v6, v2;
	[tilespmem:s10+$0x10] =	vst v4;
	v3 =	vnsel vm0, $0x0, v3  }
0xb2: {  	v4 =	vld [tilespmem:s12+$0x10];
	vm0 =	vge.f32 v10, v2;
	v6 =	vnsel vm1, $0x0, v6;
	[tilespmem:s10+$0x20] =	vst v3  }
0xb3: {  	vm1 =	vge.f32 v9, v2;
	v3 =	vld [tilespmem:s12+$0x20];
	v10 =	vnsel vm0, $0x0, v10;
	[tilespmem:s10+$0xFFFFFFC0] =	vst v6;
	s10 =	smov.u32 s12  }
0xb4: {  	s12 =	sadd.s32 $0x80, s12;
	v6 =	vld [tilespmem:s10+$0xFFFFFFC0];
	v9 =	vnsel vm1, $0x0, v9;
	vm0 =	vge.f32 v8, v2;
	[tilespmem:s10+$0x30] =	vst v10  }
0xb5: {  	[tilespmem:s10+$0xFFFFFFD0] =	vst v9;
	v8 =	vnsel vm0, $0x0, v8;
	vm4 =	vge.f32 v7, v2  }
0xb6: {  	[tilespmem:s10+$0xFFFFFFE0] =	vst v8;
	v7 =	vnsel vm4, $0x0, v7;
	vm5 =	vge.f32 v5, v2  }
0xb7: {  	[tilespmem:s10+$0xFFFFFFF0] =	vst v7;
	v5 =	vnsel vm5, $0x0, v5;
	vm6 =	vge.f32 v4, v2  }
0xb8: {  	[tilespmem:s10+$0x0] =	vst v5;
	v4 =	vnsel vm6, $0x0, v4;
	vm7 =	vge.f32 v3, v2  }
0xb9: {  	vm1 =	vge.f32 v6, v2;
	[tilespmem:s10+$0x10] =	vst v4;
	v2 =	vnsel vm7, $0x0, v3  }
0xba: {  	p1 =	seq.s32 s15, $0x7;
	v3 =	vnsel vm1, $0x0, v6;
	[tilespmem:s10+$0x20] =	vst v2  }
0xbb: {  	s11 =	sadd.s32 s4, s18;
	[tilespmem:s10+$0xFFFFFFC0] =	vst v3;
	s10 =	sadd.s32 @!p1 $0x4, s17  }
0xbc: {  	[hbm4b:s11+s19] =	stream.strided.scatter [tilespmem:s30], [sflag:$0x5], $0x1000, s20, s19, $0x38;
	[tilespmem:$0x11000] =	vst v63  }
0xbd: {  	s11 =	sadd.s32 @!p1 s7, s10  }
0xbe: {  	s12 =	sadd.s32 s5, s18;
	s11 =	sshll.u32 @!p1 s11, $0xF  }
0xbf: {  	[hbm4b:s12+s19] =	stream.strided.scatter [tilespmem:s31], [sflag:$0x5], $0x1000, s20, s19, $0x38;
	[tilespmem:$0x11000] =	vst v63  }
0xc0: {  	s10 =	sshll.u32 @!p1 s10, $0x7;
	s11 =	sand.u32 @!p1 $0x7C0000, s11  }
0xc1: {  	s10 =	sand.u32 @!p1 $0x200, s10;
	s11 =	sadd.s32 @!p1 s9, s11  }
0xc2: {  	s10 =	sor.u32 @!p1 s10, s11  }
0xc3: {  	s13 =	simm.s32 @!p1 $0x400;
	s10 =	sshrl.u32 @!p1 s10, $0x3  }
0xc4: {  	s14 =	simm.s32 @!p1 $0x1000;
	s12 =	simm.s32 @!p1 $0x80;
	s11 =	sadd.s32 @!p1 s0, s10  }
0xc5: {  	[tilespmem:s14], [sflag:$0x1] =	stream.strided.gather @!p1 [hbm4b:s11+s12], $0x1000, s13, s12, $0x38;
	[tilespmem:$0x11000] =	vst v63  }
0xc6: {  	s10 =	sadd.s32 @!p1 s1, s10;
	s11 =	simm.s32 @!p1 $0x5000  }
0xc7: {  	[tilespmem:s11], [sflag:$0x1] =	stream.strided.gather @!p1 [hbm4b:s10+s12], $0x1000, s13, s12, $0x38;
	[tilespmem:$0x11000] =	vst v63  }
0xc8: {  	_ =	swait.ge [sflag:s2], $0x1000  }
0xc9: {  	[sflag:s2] =	ssyncset.done $0x0  }
0xca: {  	[sflag:s2] =	ssyncadd.s32 $0xFFFFF000  }
0xcb: {  	_ =	swait.ge [sflag:s2], $0x1000  }
0xcc: {  	[sflag:s2] =	ssyncset.done $0x0  }
0xcd: {  	s10 =	simm.s32 @!p0 $0x6;
	[sflag:s2] =	ssyncadd.s32 $0xFFFFF000  }
0xce: {  	_ =	swait.ge @!p0 [sflag:s10], $0x1000  }
0xcf: {  	[sflag:s10] =	ssyncset.done @!p0 $0x0  }
0xd0: {  	[sflag:s10] =	ssyncadd.s32 @!p0 $0xFFFFF000  }
0xd1: {  	_ =	swait.ge @!p0 [sflag:s10], $0x1000  }
0xd2: {  	[sflag:s10] =	ssyncset.done @!p0 $0x0  }
0xd3: {  	[sflag:s10] =	ssyncadd.s32 @!p0 $0xFFFFF000;
	s10 =	simm.s32 $0x2040  }
0xd4: {  	v6 =	vld [tilespmem:s10+$0x10]  }
0xd5: {  	v7 =	vld [tilespmem:s10+$0x20]  }
0xd6: {  	v9 =	vld [tilespmem:s10+$0x30]  }
0xd7: {  	s13 =	simm.s32 $0x40;
	v8 =	vld [tilespmem:s10+$0x0]  }
0xd8: {  	s14 =	simm.s32 $0x6040;
	v10 =	vld [tilespmem:s13+$0x10]  }
0xd9: {  	v11 =	vld [tilespmem:s14+$0x10]  }
0xda: {  	v12 =	vld [tilespmem:s13+$0x20]  }
0xdb: {  	v13 =	vld [tilespmem:s14+$0x20]  }
0xdc: {  	v14 =	vld [tilespmem:s13+$0x30]  }
0xdd: {  	v15 =	vld [tilespmem:s14+$0x30]  }
0xde: {  	v16 =	vld [tilespmem:s13+$0x0]  }
0xdf: {  	v17 =	vld [tilespmem:s14+$0x0]  }
0xe0: {  	v18 =	vld [tilespmem:s10+$0xFFFFFFD0]  }
0xe1: {  	v19 =	vld [tilespmem:s13+$0xFFFFFFF0]  }
0xe2: {  	v20 =	vld [tilespmem:s10+$0xFFFFFFC0]  }
0xe3: {  	v21 =	vld [tilespmem:s13+$0xFFFFFFE0]  }
0xe4: {  	v22 =	vld [tilespmem:s13+$0xFFFFFFD0]  }
0xe5: {  	v23 =	vld [tilespmem:s13+$0xFFFFFFC0]  }
0xe6: {  	v24 =	vld [tilespmem:s14+$0xFFFFFFC0]  }
0xe7: {  	v25 =	vld [tilespmem:s14+$0xFFFFFFD0]  }
0xe8: {  	v26 =	vld [tilespmem:s14+$0xFFFFFFE0]  }
0xe9: {  	v27 =	vld [tilespmem:s14+$0xFFFFFFF0]  }
0xea: {  	v28 =	vld [tilespmem:s10+$0xFFFFFFE0]  }
0xeb: {  	s28 =	simm.s32 $0x20C0;
	v29 =	vld [tilespmem:s10+$0xFFFFFFF0]  }
0xec: {  	v5 =	vld [tilespmem:s28+$0x10]  }
0xed: {  	v4 =	vld [tilespmem:s28+$0x20]  }
0xee: {  	v2 =	vld [tilespmem:s28+$0x30]  }
0xef: {  	s12 =	simm.s32 $0xC0;
	v3 =	vld [tilespmem:s28+$0x0]  }
0xf0: {  	v30 =	vld [tilespmem:s12+$0x10]  }
0xf1: {  	s13 =	simm.s32 $0x60C0;
	v32 =	vld [tilespmem:s12+$0x30];
	v10 =	vmul.f32 v11, v10;
	v11 =	vmul.f32 v24, v23  }
0xf2: {  	v31 =	vld [tilespmem:s13+$0x10];
	v12 =	vmul.f32 v13, v12;
	v16 =	vmul.f32 v17, v16  }
0xf3: {  	v33 =	vld [tilespmem:s13+$0xFFFFFFC0];
	v13 =	vmul.f32 v15, v14;
	v14 =	vmul.f32 v25, v22;
	v11 =	vadd.f32 v20, v11  }
0xf4: {  	v15 =	vld [tilespmem:s12+$0x20];
	v17 =	vadd.f32 v6, v10;
	v6 =	vmul.f32 v26, v21;
	v21 =	vadd.f32 v8, v16  }
0xf5: {  	v25 =	vld [tilespmem:s13+$0x20];
	v20 =	vadd.f32 v7, v12;
	v12 =	vadd.f32 v18, v14;
	vm8 =	vge.f32 v11, $1.000000000e+00  }
0xf6: {  	v10 =	vmul.f32 v27, v19;
	v19 =	vld [tilespmem:s13+$0x30];
	vm12 =	vge.f32 v21, $1.000000000e+00;
	v16 =	vsel vm8, $0x3F800000, v0  }
0xf7: {  	v7 =	vld [tilespmem:s12+$0x0];
	v6 =	vadd.f32 v28, v6;
	v28 =	vsel vm12, $0x3F800000, v0;
	v14 =	vsub.f32 v11, v16  }
0xf8: {  	s11 =	simm.s32 $0xA040;
	v23 =	vimm.f32 $0.0e+00;
	v8 =	vld [tilespmem:s28+$0xFFFFFFD0];
	vm9 =	vge.f32 v12, $1.000000000e+00;
	v21 =	vsub.f32 v21, v28  }
0xf9: {  	v22 =	vadd.f32 v29, v10;
	v10 =	vld [tilespmem:s13+$0x0];
	v11 =	vmax.f32 v23, v16;
	v23 =	vsel vm9, $0x3F800000, v0;
	[tilespmem:s11+$0xFFFFFFC0] =	vst v14  }
0xfa: {  	s10 =	simm.s32 $0xE040;
	v27 =	vadd.f32 v9, v13;
	v29 =	vld [tilespmem:s12+$0xFFFFFFC0];
	vm10 =	vge.f32 v6, $1.000000000e+00;
	v12 =	vsub.f32 v12, v23;
	[tilespmem:s11+$0x0] =	vst v21  }
0xfb: {  	vm11 =	vge.f32 v22, $1.000000000e+00;
	v18 =	vmax.f32 v11, v23;
	v24 =	vsel vm10, $0x3F800000, v0;
	v11 =	vld [tilespmem:s12+$0xFFFFFFF0];
	[tilespmem:s10+$0xFFFFFFC0] =	vst v16  }
0xfc: {  	v13 =	vsel vm11, $0x3F800000, v0;
	v9 =	vmax.f32 v18, v24;
	v14 =	vld [tilespmem:s28+$0xFFFFFFC0];
	v6 =	vsub.f32 v6, v24;
	[tilespmem:s11+$0xFFFFFFD0] =	vst v12  }
0xfd: {  	vm13 =	vge.f32 v17, $1.000000000e+00;
	vm14 =	vge.f32 v20, $1.000000000e+00;
	v18 =	vld [tilespmem:s12+$0xFFFFFFD0];
	v9 =	vmax.f32 v9, v13;
	[tilespmem:s10+$0xFFFFFFD0] =	vst v23  }
0xfe: {  	v22 =	vsub.f32 v22, v13;
	v16 =	vld [tilespmem:s12+$0xFFFFFFE0];
	v12 =	vsel vm13, $0x3F800000, v0;
	v9 =	vmax.f32 v9, v28;
	[tilespmem:s11+$0xFFFFFFE0] =	vst v6  }
0xff: {  	vm15 =	vge.f32 v27, $1.000000000e+00;
	v6 =	vmax.f32 v9, v12;
	[tilespmem:s10+$0xFFFFFFE0] =	vst v24;
	v9 =	vsel vm14, $0x3F800000, v0;
	v24 =	vld [tilespmem:s13+$0xFFFFFFD0]  }
0x100: {  	[tilespmem:s11+$0xFFFFFFF0] =	vst v22;
	v23 =	vld [tilespmem:s13+$0xFFFFFFE0];
	v22 =	vmax.f32 v6, v9;
	v6 =	vsel vm15, $0x3F800000, v0  }
0x101: {  	v34 =	vsub.f32 v17, v12;
	[tilespmem:s10+$0xFFFFFFF0] =	vst v13;
	v13 =	vmax.f32 v22, v6;
	v22 =	vld [tilespmem:s13+$0xFFFFFFF0]  }
0x102: {  	v26 =	vmul.f32 v31, v30;
	v25 =	vmul.f32 v25, v15;
	[tilespmem:s10+$0x0] =	vst v28;
	v17 =	vsub.f32 v20, v9;
	v20 =	vld [tilespmem:s28+$0xFFFFFFE0]  }
0x103: {  	s14 =	simm.s32 $0x80;
	v19 =	vmul.f32 v19, v32;
	v21 =	vld [tilespmem:s28+$0xFFFFFFF0];
	s28 =	simm.s32 $0x2140;
	[tilespmem:s11+$0x10] =	vst v34;
	v15 =	vsub.f32 v27, v6;
	v27 =	vmul.f32 v33, v29  }
.LBB2_7:
0x104: {  	v18 =	vmul.f32 v24, v18;
	v7 =	vmul.f32 v10, v7;
	v24 =	vadd.f32 v5, v26;
	v5 =	vld [tilespmem:s28+$0x10];
	[tilespmem:s10+$0x10] =	vst v12  }
0x105: {  	v14 =	vadd.f32 v14, v27;
	v10 =	vmul.f32 v23, v16;
	v16 =	vadd.f32 v4, v25;
	v4 =	vld [tilespmem:s28+$0x20];
	[tilespmem:s11+$0x20] =	vst v17  }
0x106: {  	v17 =	vadd.f32 v8, v18;
	v8 =	vmul.f32 v22, v11;
	v18 =	vadd.f32 v2, v19;
	v2 =	vld [tilespmem:s28+$0x30];
	[tilespmem:s10+$0x20] =	vst v9  }
0x107: {  	s12 =	sadd.s32 $0x80, s12;
	v19 =	vadd.f32 v3, v7;
	vm0 =	vge.f32 v14, $1.000000000e+00;
	v11 =	vadd.f32 v20, v10;
	v3 =	vld [tilespmem:s28+$0x0];
	[tilespmem:s11+$0x30] =	vst v15  }
0x108: {  	s13 =	sadd.s32 $0x80, s13;
	v25 =	vld [tilespmem:s12+$0x10];
	v15 =	vsel vm0, $0x3F800000, v0;
	vm0 =	vge.f32 v17, $1.000000000e+00;
	v20 =	vadd.f32 v21, v8;
	[tilespmem:s10+$0x30] =	vst v6  }
0x109: {  	v21 =	vld [tilespmem:s13+$0x10];
	v6 =	vmax.f32 v13, v15;
	v22 =	vsel vm0, $0x3F800000, v0;
	vm0 =	vge.f32 v11, $1.000000000e+00  }
0x10a: {  	v27 =	vld [tilespmem:s12+$0x20];
	v6 =	vmax.f32 v6, v22;
	v23 =	vsel vm0, $0x3F800000, v0;
	vm0 =	vge.f32 v20, $1.000000000e+00  }
0x10b: {  	v28 =	vld [tilespmem:s13+$0x20];
	v6 =	vmax.f32 v6, v23;
	v26 =	vsel vm0, $0x3F800000, v0;
	vm0 =	vge.f32 v19, $1.000000000e+00  }
0x10c: {  	v29 =	vld [tilespmem:s12+$0x30];
	v6 =	vmax.f32 v6, v26;
	v30 =	vsel vm0, $0x3F800000, v0;
	vm0 =	vge.f32 v24, $1.000000000e+00  }
0x10d: {  	v31 =	vld [tilespmem:s13+$0x30];
	v6 =	vmax.f32 v6, v30;
	v12 =	vsel vm0, $0x3F800000, v0;
	vm0 =	vge.f32 v16, $1.000000000e+00  }
0x10e: {  	v7 =	vld [tilespmem:s12+$0x0];
	v6 =	vmax.f32 v6, v12;
	v9 =	vsel vm0, $0x3F800000, v0;
	vm0 =	vge.f32 v18, $1.000000000e+00  }
0x10f: {  	v14 =	vsub.f32 v14, v15;
	v10 =	vld [tilespmem:s13+$0x0];
	v13 =	vmax.f32 v6, v9;
	v6 =	vsel vm0, $0x3F800000, v0  }
0x110: {  	s11 =	sadd.s32 $0x80, s11;
	v32 =	vsub.f32 v17, v22;
	v33 =	vsub.f32 v11, v23;
	v8 =	vld [tilespmem:s28+$0xFFFFFFD0];
	v13 =	vmax.f32 v13, v6  }
0x111: {  	s10 =	sadd.s32 $0x80, s10;
	v20 =	vsub.f32 v20, v26;
	v19 =	vsub.f32 v19, v30;
	v11 =	vld [tilespmem:s12+$0xFFFFFFF0];
	[tilespmem:s11+$0xFFFFFFC0] =	vst v14  }
0x112: {  	v34 =	vsub.f32 v24, v12;
	v17 =	vsub.f32 v16, v9;
	v14 =	vld [tilespmem:s28+$0xFFFFFFC0];
	[tilespmem:s10+$0xFFFFFFC0] =	vst v15  }
0x113: {  	v15 =	vsub.f32 v18, v6;
	v16 =	vld [tilespmem:s12+$0xFFFFFFE0];
	[tilespmem:s11+$0xFFFFFFD0] =	vst v32  }
0x114: {  	v18 =	vld [tilespmem:s12+$0xFFFFFFD0];
	[tilespmem:s10+$0xFFFFFFD0] =	vst v22  }
0x115: {  	s14 =	sadd.s32 $0x80, s14;
	v32 =	vld [tilespmem:s12+$0xFFFFFFC0];
	[tilespmem:s11+$0xFFFFFFE0] =	vst v33  }
0x116: {  	p2 =	slt.u32 s14, $0xF80;
	v33 =	vld [tilespmem:s13+$0xFFFFFFC0];
	[tilespmem:s10+$0xFFFFFFE0] =	vst v23  }
.Ltmp2:
0x117: {  	v24 =	vld [tilespmem:s13+$0xFFFFFFD0];
	[tilespmem:s11+$0xFFFFFFF0] =	vst v20;
	(pc) =	sbr.rel @p2 .LBB2_7-.Ltmp2, $4  }
0x118: {  	v23 =	vld [tilespmem:s13+$0xFFFFFFE0];
	[tilespmem:s10+$0xFFFFFFF0] =	vst v26  }
0x119: {  	v22 =	vld [tilespmem:s13+$0xFFFFFFF0];
	[tilespmem:s11+$0x0] =	vst v19  }
0x11a: {  	v26 =	vmul.f32 v21, v25;
	v25 =	vmul.f32 v28, v27;
	v20 =	vld [tilespmem:s28+$0xFFFFFFE0];
	[tilespmem:s10+$0x0] =	vst v30  }
0x11b: {  	v19 =	vmul.f32 v31, v29;
	v27 =	vmul.f32 v33, v32;
	v21 =	vld [tilespmem:s28+$0xFFFFFFF0];
	s28 =	sadd.s32 $0x80, s28;
	[tilespmem:s11+$0x10] =	vst v34  }
0x11c: {  	v18 =	vmul.f32 v24, v18;
	v5 =	vadd.f32 v5, v26  }
0x11d: {  	v7 =	vmul.f32 v10, v7;
	v4 =	vadd.f32 v4, v25;
	v10 =	vadd.f32 v14, v27  }
0x11e: {  	v58 =	vmul.f32 v23, v16;
	v2 =	vadd.f32 v2, v19;
	v8 =	vadd.f32 v8, v18  }
0x11f: {  	v11 =	vmul.f32 v22, v11;
	v3 =	vadd.f32 v3, v7;
	vm0 =	vge.f32 v10, $1.000000000e+00  }
0x120: {  	v14 =	vadd.f32 v20, v58;
	v7 =	vsel vm0, $0x3F800000, v0;
	vm0 =	vge.f32 v8, $1.000000000e+00  }
0x121: {  	[tilespmem:s10+$0x10] =	vst v12;
	v11 =	vadd.f32 v21, v11;
	v59 =	vmax.f32 v13, v7;
	v60 =	vsel vm0, $0x3F800000, v0  }
0x122: {  	[tilespmem:s11+$0x20] =	vst v17;
	vm0 =	vge.f32 v14, $1.000000000e+00;
	v10 =	vsub.f32 v10, v7;
	v12 =	vmax.f32 v59, v60  }
0x123: {  	[tilespmem:s11+$0x30] =	vst v15;
	v61 =	vsel vm0, $0x3F800000, v0;
	vm0 =	vge.f32 v11, $1.000000000e+00;
	v8 =	vsub.f32 v8, v60  }
0x124: {  	[tilespmem:s10+$0x20] =	vst v9;
	v9 =	vmax.f32 v12, v61;
	v62 =	vsel vm0, $0x3F800000, v0;
	vm0 =	vge.f32 v3, $1.000000000e+00  }
0x125: {  	s14 =	sadd.s32 $0x80, s11;
	[tilespmem:s10+$0x30] =	vst v6;
	v9 =	vmax.f32 v9, v62;
	v63 =	vsel vm0, $0x3F800000, v0;
	vm0 =	vge.f32 v5, $1.000000000e+00  }
0x126: {  	s28 =	sadd.s32 $0x80, s10;
	[tilespmem:s14+$0xFFFFFFC0] =	vst v10;
	v6 =	vmax.f32 v9, v63;
	v9 =	vsel vm0, $0x3F800000, v0;
	vm0 =	vge.f32 v4, $1.000000000e+00  }
0x127: {  	[tilespmem:s28+$0xFFFFFFC0] =	vst v7;
	v6 =	vmax.f32 v6, v9;
	v10 =	vsel vm0, $0x3F800000, v0;
	vm0 =	vge.f32 v2, $1.000000000e+00  }
0x128: {  	v14 =	vsub.f32 v14, v61;
	[tilespmem:s14+$0xFFFFFFD0] =	vst v8;
	v6 =	vmax.f32 v6, v10;
	v7 =	vsel vm0, $0x3F800000, v0  }
0x129: {  	[tilespmem:s28+$0xFFFFFFD0] =	vst v60;
	v6 =	vmax.f32 v6, v7  }
0x12a: {  	v8 =	vsub.f32 v11, v62;
	[tilespmem:s14+$0xFFFFFFE0] =	vst v14;
	(xrf0) =	vmax.scan.msk.f32 $0xffff, v6  }
0x12b: {  	[tilespmem:s28+$0xFFFFFFE0] =	vst v61  }
0x12c: {  	v3 =	vsub.f32 v3, v63;
	[tilespmem:s14+$0xFFFFFFF0] =	vst v8  }
0x12d: {  	[tilespmem:s28+$0xFFFFFFF0] =	vst v62  }
0x12e: {  	v5 =	vsub.f32 v5, v9;
	[tilespmem:s14+$0x0] =	vst v3  }
0x12f: {  	[tilespmem:s28+$0x0] =	vst v63  }
0x130: {  	v3 =	vsub.f32 v4, v10;
	[tilespmem:s14+$0x10] =	vst v5;
	v4, _, _ =	vpop (xrf0)  }
0x131: {  	[tilespmem:s28+$0x10] =	vst v9;
	v5 =	vperm.xlane v4, v1  }
0x132: {  	v2 =	vsub.f32 v2, v7;
	[tilespmem:s14+$0x20] =	vst v3  }
0x133: {  	[tilespmem:s28+$0x20] =	vst v10;
	v3 =	vmax.f32 v4, v5  }
0x134: {  	[tilespmem:s14+$0x30] =	vst v2;
	(xrf0) =	vmax.scan.msk.f32 $0xffff, v3  }
0x135: {  	s10 =	simm.s32 $0xE040;
	[tilespmem:s28+$0x30] =	vst v7  }
0x136: {  	v6 =	vld [tilespmem:s10+$0x30]  }
0x137: {  	v9 =	vld [tilespmem:s10+$0xFFFFFFD0]  }
0x138: {  	v8 =	vld [tilespmem:s10+$0xFFFFFFE0]  }
0x139: {  	v7 =	vld [tilespmem:s10+$0xFFFFFFF0]  }
0x13a: {  	v5 =	vld [tilespmem:s10+$0x0];
	v2, _, _ =	vpop (xrf0)  }
0x13b: {  	v4 =	vld [tilespmem:s10+$0x10];
	vm0 =	vge.f32 v6, v2  }
0x13c: {  	v3 =	vld [tilespmem:s10+$0x20];
	vm1 =	vge.f32 v9, v2;
	v10 =	vnsel vm0, $0x0, v6  }
0x13d: {  	s11 =	simm.s32 $0x0;
	s12 =	simm.s32 $0xE0C0;
	v6 =	vld [tilespmem:s10+$0xFFFFFFC0];
	v9 =	vnsel vm1, $0x0, v9;
	vm0 =	vge.f32 v8, v2;
	[tilespmem:s10+$0x30] =	vst v10  }
.LBB2_9:
0x13e: {  	v10 =	vld [tilespmem:s12+$0x30];
	s11 =	sadd.s32 $0x80, s11;
	[tilespmem:s10+$0xFFFFFFD0] =	vst v9;
	v8 =	vnsel vm0, $0x0, v8;
	vm0 =	vge.f32 v7, v2  }
0x13f: {  	v9 =	vld [tilespmem:s12+$0xFFFFFFD0];
	p2 =	slt.u32 s11, $0xF80;
	[tilespmem:s10+$0xFFFFFFE0] =	vst v8;
	v7 =	vnsel vm0, $0x0, v7;
	vm0 =	vge.f32 v5, v2  }
0x140: {  	v8 =	vld [tilespmem:s12+$0xFFFFFFE0];
	[tilespmem:s10+$0xFFFFFFF0] =	vst v7;
	v5 =	vnsel vm0, $0x0, v5;
	vm0 =	vge.f32 v4, v2  }
.Ltmp3:
0x141: {  	v7 =	vld [tilespmem:s12+$0xFFFFFFF0];
	[tilespmem:s10+$0x0] =	vst v5;
	v4 =	vnsel vm0, $0x0, v4;
	vm0 =	vge.f32 v3, v2;
	(pc) =	sbr.rel @p2 .LBB2_9-.Ltmp3, $4  }
0x142: {  	v5 =	vld [tilespmem:s12+$0x0];
	vm1 =	vge.f32 v6, v2;
	[tilespmem:s10+$0x10] =	vst v4;
	v3 =	vnsel vm0, $0x0, v3  }
0x143: {  	v4 =	vld [tilespmem:s12+$0x10];
	vm0 =	vge.f32 v10, v2;
	v6 =	vnsel vm1, $0x0, v6;
	[tilespmem:s10+$0x20] =	vst v3  }
0x144: {  	vm1 =	vge.f32 v9, v2;
	v3 =	vld [tilespmem:s12+$0x20];
	v10 =	vnsel vm0, $0x0, v10;
	[tilespmem:s10+$0xFFFFFFC0] =	vst v6;
	s10 =	smov.u32 s12  }
0x145: {  	s12 =	sadd.s32 $0x80, s12;
	v6 =	vld [tilespmem:s10+$0xFFFFFFC0];
	v9 =	vnsel vm1, $0x0, v9;
	vm0 =	vge.f32 v8, v2;
	[tilespmem:s10+$0x30] =	vst v10  }
0x146: {  	[tilespmem:s10+$0xFFFFFFD0] =	vst v9;
	v8 =	vnsel vm0, $0x0, v8;
	vm4 =	vge.f32 v7, v2  }
0x147: {  	[tilespmem:s10+$0xFFFFFFE0] =	vst v8;
	v7 =	vnsel vm4, $0x0, v7;
	vm5 =	vge.f32 v5, v2  }
0x148: {  	[tilespmem:s10+$0xFFFFFFF0] =	vst v7;
	v5 =	vnsel vm5, $0x0, v5;
	vm6 =	vge.f32 v4, v2  }
0x149: {  	[tilespmem:s10+$0x0] =	vst v5;
	v4 =	vnsel vm6, $0x0, v4;
	vm7 =	vge.f32 v3, v2  }
0x14a: {  	vm1 =	vge.f32 v6, v2;
	[tilespmem:s10+$0x10] =	vst v4;
	v2 =	vnsel vm7, $0x0, v3  }
0x14b: {  	s11 =	sor.u32 $0x10, s18;
	v3 =	vnsel vm1, $0x0, v6;
	[tilespmem:s10+$0x20] =	vst v2  }
0x14c: {  	s14 =	sadd.s32 s4, s11;
	[tilespmem:s10+$0xFFFFFFC0] =	vst v3;
	s10 =	sadd.s32 @!p1 $0x5, s17  }
0x14d: {  	[hbm4b:s14+s19] =	stream.strided.scatter [tilespmem:s3], [sflag:$0x6], $0x1000, s20, s19, $0x38;
	[tilespmem:$0x11000] =	vst v63  }
0x14e: {  	s12 =	sadd.s32 s5, s11;
	s11 =	sadd.s32 @!p1 s7, s10  }
0x14f: {  	s11 =	sshll.u32 @!p1 s11, $0xF  }
0x150: {  	[hbm4b:s12+s19] =	stream.strided.scatter [tilespmem:s21], [sflag:$0x6], $0x1000, s20, s19, $0x38;
	[tilespmem:$0x11000] =	vst v63  }
0x151: {  	s10 =	sshll.u32 @!p1 s10, $0x7;
	s11 =	sand.u32 @!p1 $0x7C0000, s11  }
0x152: {  	s10 =	sand.u32 @!p1 $0x280, s10;
	s11 =	sadd.s32 @!p1 s9, s11  }
0x153: {  	s10 =	sor.u32 @!p1 s10, s11  }
0x154: {  	s13 =	simm.s32 @!p1 $0x400;
	s10 =	sshrl.u32 @!p1 s10, $0x3  }
0x155: {  	s14 =	simm.s32 @!p1 $0x2000;
	s12 =	simm.s32 @!p1 $0x80;
	s11 =	sadd.s32 @!p1 s0, s10  }
0x156: {  	[tilespmem:s14], [sflag:$0x2] =	stream.strided.gather @!p1 [hbm4b:s11+s12], $0x1000, s13, s12, $0x38;
	[tilespmem:$0x11000] =	vst v63  }
0x157: {  	s10 =	sadd.s32 @!p1 s1, s10;
	s11 =	simm.s32 @!p1 $0x6000  }
0x158: {  	[tilespmem:s11], [sflag:$0x2] =	stream.strided.gather @!p1 [hbm4b:s10+s12], $0x1000, s13, s12, $0x38;
	[tilespmem:$0x11000] =	vst v63  }
0x159: {  	_ =	swait.ge [sflag:s22], $0x1000  }
0x15a: {  	[sflag:s22] =	ssyncset.done $0x0  }
0x15b: {  	[sflag:s22] =	ssyncadd.s32 $0xFFFFF000  }
0x15c: {  	_ =	swait.ge [sflag:s22], $0x1000  }
0x15d: {  	[sflag:s22] =	ssyncset.done $0x0  }
0x15e: {  	s10 =	simm.s32 @!p0 $0x7;
	[sflag:s22] =	ssyncadd.s32 $0xFFFFF000  }
0x15f: {  	_ =	swait.ge @!p0 [sflag:s10], $0x1000  }
0x160: {  	[sflag:s10] =	ssyncset.done @!p0 $0x0  }
0x161: {  	[sflag:s10] =	ssyncadd.s32 @!p0 $0xFFFFF000  }
0x162: {  	_ =	swait.ge @!p0 [sflag:s10], $0x1000  }
0x163: {  	[sflag:s10] =	ssyncset.done @!p0 $0x0  }
0x164: {  	[sflag:s10] =	ssyncadd.s32 @!p0 $0xFFFFF000;
	s10 =	simm.s32 $0x3040  }
0x165: {  	v6 =	vld [tilespmem:s10+$0x10]  }
0x166: {  	v7 =	vld [tilespmem:s10+$0x20]  }
0x167: {  	v9 =	vld [tilespmem:s10+$0x30]  }
0x168: {  	s13 =	simm.s32 $0x40;
	v8 =	vld [tilespmem:s10+$0x0]  }
0x169: {  	s14 =	simm.s32 $0x7040;
	v10 =	vld [tilespmem:s13+$0x10]  }
0x16a: {  	v11 =	vld [tilespmem:s14+$0x10]  }
0x16b: {  	v12 =	vld [tilespmem:s13+$0x20]  }
0x16c: {  	v13 =	vld [tilespmem:s14+$0x20]  }
0x16d: {  	v14 =	vld [tilespmem:s13+$0x30]  }
0x16e: {  	v15 =	vld [tilespmem:s14+$0x30]  }
0x16f: {  	v16 =	vld [tilespmem:s13+$0x0]  }
0x170: {  	v17 =	vld [tilespmem:s14+$0x0]  }
0x171: {  	v18 =	vld [tilespmem:s10+$0xFFFFFFD0]  }
0x172: {  	v19 =	vld [tilespmem:s13+$0xFFFFFFF0]  }
0x173: {  	v20 =	vld [tilespmem:s10+$0xFFFFFFC0]  }
0x174: {  	v21 =	vld [tilespmem:s13+$0xFFFFFFE0]  }
0x175: {  	v22 =	vld [tilespmem:s13+$0xFFFFFFD0]  }
0x176: {  	v23 =	vld [tilespmem:s13+$0xFFFFFFC0]  }
0x177: {  	v24 =	vld [tilespmem:s14+$0xFFFFFFC0]  }
0x178: {  	v25 =	vld [tilespmem:s14+$0xFFFFFFD0]  }
0x179: {  	v26 =	vld [tilespmem:s14+$0xFFFFFFE0]  }
0x17a: {  	v27 =	vld [tilespmem:s14+$0xFFFFFFF0]  }
0x17b: {  	v28 =	vld [tilespmem:s10+$0xFFFFFFE0]  }
0x17c: {  	s28 =	simm.s32 $0x30C0;
	v29 =	vld [tilespmem:s10+$0xFFFFFFF0]  }
0x17d: {  	v5 =	vld [tilespmem:s28+$0x10]  }
0x17e: {  	v4 =	vld [tilespmem:s28+$0x20]  }
0x17f: {  	v2 =	vld [tilespmem:s28+$0x30]  }
0x180: {  	s12 =	simm.s32 $0xC0;
	v3 =	vld [tilespmem:s28+$0x0]  }
0x181: {  	v30 =	vld [tilespmem:s12+$0x10]  }
0x182: {  	s13 =	simm.s32 $0x70C0;
	v32 =	vld [tilespmem:s12+$0x30];
	v10 =	vmul.f32 v11, v10;
	v11 =	vmul.f32 v24, v23  }
0x183: {  	v31 =	vld [tilespmem:s13+$0x10];
	v12 =	vmul.f32 v13, v12;
	v16 =	vmul.f32 v17, v16  }
0x184: {  	v33 =	vld [tilespmem:s13+$0xFFFFFFC0];
	v13 =	vmul.f32 v15, v14;
	v14 =	vmul.f32 v25, v22;
	v11 =	vadd.f32 v20, v11  }
0x185: {  	v15 =	vld [tilespmem:s12+$0x20];
	v17 =	vadd.f32 v6, v10;
	v6 =	vmul.f32 v26, v21;
	v21 =	vadd.f32 v8, v16  }
0x186: {  	v25 =	vld [tilespmem:s13+$0x20];
	v20 =	vadd.f32 v7, v12;
	v12 =	vadd.f32 v18, v14;
	vm8 =	vge.f32 v11, $1.000000000e+00  }
0x187: {  	v10 =	vmul.f32 v27, v19;
	v19 =	vld [tilespmem:s13+$0x30];
	vm12 =	vge.f32 v21, $1.000000000e+00;
	v16 =	vsel vm8, $0x3F800000, v0  }
0x188: {  	v7 =	vld [tilespmem:s12+$0x0];
	v6 =	vadd.f32 v28, v6;
	v28 =	vsel vm12, $0x3F800000, v0;
	v14 =	vsub.f32 v11, v16  }
0x189: {  	s11 =	simm.s32 $0xB040;
	v23 =	vimm.f32 $0.0e+00;
	v8 =	vld [tilespmem:s28+$0xFFFFFFD0];
	vm9 =	vge.f32 v12, $1.000000000e+00;
	v21 =	vsub.f32 v21, v28  }
0x18a: {  	v22 =	vadd.f32 v29, v10;
	v10 =	vld [tilespmem:s13+$0x0];
	v11 =	vmax.f32 v23, v16;
	v23 =	vsel vm9, $0x3F800000, v0;
	[tilespmem:s11+$0xFFFFFFC0] =	vst v14  }
0x18b: {  	s10 =	simm.s32 $0xF040;
	v27 =	vadd.f32 v9, v13;
	v29 =	vld [tilespmem:s12+$0xFFFFFFC0];
	vm10 =	vge.f32 v6, $1.000000000e+00;
	v12 =	vsub.f32 v12, v23;
	[tilespmem:s11+$0x0] =	vst v21  }
0x18c: {  	vm11 =	vge.f32 v22, $1.000000000e+00;
	v18 =	vmax.f32 v11, v23;
	v24 =	vsel vm10, $0x3F800000, v0;
	v11 =	vld [tilespmem:s12+$0xFFFFFFF0];
	[tilespmem:s10+$0xFFFFFFC0] =	vst v16  }
0x18d: {  	v13 =	vsel vm11, $0x3F800000, v0;
	v9 =	vmax.f32 v18, v24;
	v14 =	vld [tilespmem:s28+$0xFFFFFFC0];
	v6 =	vsub.f32 v6, v24;
	[tilespmem:s11+$0xFFFFFFD0] =	vst v12  }
0x18e: {  	vm13 =	vge.f32 v17, $1.000000000e+00;
	vm14 =	vge.f32 v20, $1.000000000e+00;
	v18 =	vld [tilespmem:s12+$0xFFFFFFD0];
	v9 =	vmax.f32 v9, v13;
	[tilespmem:s10+$0xFFFFFFD0] =	vst v23  }
0x18f: {  	v22 =	vsub.f32 v22, v13;
	v16 =	vld [tilespmem:s12+$0xFFFFFFE0];
	v12 =	vsel vm13, $0x3F800000, v0;
	v9 =	vmax.f32 v9, v28;
	[tilespmem:s11+$0xFFFFFFE0] =	vst v6  }
0x190: {  	vm15 =	vge.f32 v27, $1.000000000e+00;
	v6 =	vmax.f32 v9, v12;
	[tilespmem:s10+$0xFFFFFFE0] =	vst v24;
	v9 =	vsel vm14, $0x3F800000, v0;
	v24 =	vld [tilespmem:s13+$0xFFFFFFD0]  }
0x191: {  	[tilespmem:s11+$0xFFFFFFF0] =	vst v22;
	v23 =	vld [tilespmem:s13+$0xFFFFFFE0];
	v22 =	vmax.f32 v6, v9;
	v6 =	vsel vm15, $0x3F800000, v0  }
0x192: {  	v34 =	vsub.f32 v17, v12;
	[tilespmem:s10+$0xFFFFFFF0] =	vst v13;
	v13 =	vmax.f32 v22, v6;
	v22 =	vld [tilespmem:s13+$0xFFFFFFF0]  }
0x193: {  	v26 =	vmul.f32 v31, v30;
	v25 =	vmul.f32 v25, v15;
	[tilespmem:s10+$0x0] =	vst v28;
	v17 =	vsub.f32 v20, v9;
	v20 =	vld [tilespmem:s28+$0xFFFFFFE0]  }
0x194: {  	s14 =	simm.s32 $0x80;
	v19 =	vmul.f32 v19, v32;
	v21 =	vld [tilespmem:s28+$0xFFFFFFF0];
	s28 =	simm.s32 $0x3140;
	[tilespmem:s11+$0x10] =	vst v34;
	v15 =	vsub.f32 v27, v6;
	v27 =	vmul.f32 v33, v29  }
.LBB2_11:
0x195: {  	v18 =	vmul.f32 v24, v18;
	v7 =	vmul.f32 v10, v7;
	v24 =	vadd.f32 v5, v26;
	v5 =	vld [tilespmem:s28+$0x10];
	[tilespmem:s10+$0x10] =	vst v12  }
0x196: {  	v14 =	vadd.f32 v14, v27;
	v10 =	vmul.f32 v23, v16;
	v16 =	vadd.f32 v4, v25;
	v4 =	vld [tilespmem:s28+$0x20];
	[tilespmem:s11+$0x20] =	vst v17  }
0x197: {  	v17 =	vadd.f32 v8, v18;
	v8 =	vmul.f32 v22, v11;
	v18 =	vadd.f32 v2, v19;
	v2 =	vld [tilespmem:s28+$0x30];
	[tilespmem:s10+$0x20] =	vst v9  }
0x198: {  	s12 =	sadd.s32 $0x80, s12;
	v19 =	vadd.f32 v3, v7;
	vm0 =	vge.f32 v14, $1.000000000e+00;
	v11 =	vadd.f32 v20, v10;
	v3 =	vld [tilespmem:s28+$0x0];
	[tilespmem:s11+$0x30] =	vst v15  }
0x199: {  	s13 =	sadd.s32 $0x80, s13;
	v25 =	vld [tilespmem:s12+$0x10];
	v15 =	vsel vm0, $0x3F800000, v0;
	vm0 =	vge.f32 v17, $1.000000000e+00;
	v20 =	vadd.f32 v21, v8;
	[tilespmem:s10+$0x30] =	vst v6  }
0x19a: {  	v21 =	vld [tilespmem:s13+$0x10];
	v6 =	vmax.f32 v13, v15;
	v22 =	vsel vm0, $0x3F800000, v0;
	vm0 =	vge.f32 v11, $1.000000000e+00  }
0x19b: {  	v27 =	vld [tilespmem:s12+$0x20];
	v6 =	vmax.f32 v6, v22;
	v23 =	vsel vm0, $0x3F800000, v0;
	vm0 =	vge.f32 v20, $1.000000000e+00  }
0x19c: {  	v28 =	vld [tilespmem:s13+$0x20];
	v6 =	vmax.f32 v6, v23;
	v26 =	vsel vm0, $0x3F800000, v0;
	vm0 =	vge.f32 v19, $1.000000000e+00  }
0x19d: {  	v29 =	vld [tilespmem:s12+$0x30];
	v6 =	vmax.f32 v6, v26;
	v30 =	vsel vm0, $0x3F800000, v0;
	vm0 =	vge.f32 v24, $1.000000000e+00  }
0x19e: {  	v31 =	vld [tilespmem:s13+$0x30];
	v6 =	vmax.f32 v6, v30;
	v12 =	vsel vm0, $0x3F800000, v0;
	vm0 =	vge.f32 v16, $1.000000000e+00  }
0x19f: {  	v7 =	vld [tilespmem:s12+$0x0];
	v6 =	vmax.f32 v6, v12;
	v9 =	vsel vm0, $0x3F800000, v0;
	vm0 =	vge.f32 v18, $1.000000000e+00  }
0x1a0: {  	v14 =	vsub.f32 v14, v15;
	v10 =	vld [tilespmem:s13+$0x0];
	v13 =	vmax.f32 v6, v9;
	v6 =	vsel vm0, $0x3F800000, v0  }
0x1a1: {  	s11 =	sadd.s32 $0x80, s11;
	v32 =	vsub.f32 v17, v22;
	v33 =	vsub.f32 v11, v23;
	v8 =	vld [tilespmem:s28+$0xFFFFFFD0];
	v13 =	vmax.f32 v13, v6  }
0x1a2: {  	s10 =	sadd.s32 $0x80, s10;
	v20 =	vsub.f32 v20, v26;
	v19 =	vsub.f32 v19, v30;
	v11 =	vld [tilespmem:s12+$0xFFFFFFF0];
	[tilespmem:s11+$0xFFFFFFC0] =	vst v14  }
0x1a3: {  	v34 =	vsub.f32 v24, v12;
	v17 =	vsub.f32 v16, v9;
	v14 =	vld [tilespmem:s28+$0xFFFFFFC0];
	[tilespmem:s10+$0xFFFFFFC0] =	vst v15  }
0x1a4: {  	v15 =	vsub.f32 v18, v6;
	v16 =	vld [tilespmem:s12+$0xFFFFFFE0];
	[tilespmem:s11+$0xFFFFFFD0] =	vst v32  }
0x1a5: {  	v18 =	vld [tilespmem:s12+$0xFFFFFFD0];
	[tilespmem:s10+$0xFFFFFFD0] =	vst v22  }
0x1a6: {  	s14 =	sadd.s32 $0x80, s14;
	v32 =	vld [tilespmem:s12+$0xFFFFFFC0];
	[tilespmem:s11+$0xFFFFFFE0] =	vst v33  }
0x1a7: {  	p2 =	slt.u32 s14, $0xF80;
	v33 =	vld [tilespmem:s13+$0xFFFFFFC0];
	[tilespmem:s10+$0xFFFFFFE0] =	vst v23  }
.Ltmp4:
0x1a8: {  	v24 =	vld [tilespmem:s13+$0xFFFFFFD0];
	[tilespmem:s11+$0xFFFFFFF0] =	vst v20;
	(pc) =	sbr.rel @p2 .LBB2_11-.Ltmp4, $4  }
0x1a9: {  	v23 =	vld [tilespmem:s13+$0xFFFFFFE0];
	[tilespmem:s10+$0xFFFFFFF0] =	vst v26  }
0x1aa: {  	v22 =	vld [tilespmem:s13+$0xFFFFFFF0];
	[tilespmem:s11+$0x0] =	vst v19  }
0x1ab: {  	v26 =	vmul.f32 v21, v25;
	v25 =	vmul.f32 v28, v27;
	v20 =	vld [tilespmem:s28+$0xFFFFFFE0];
	[tilespmem:s10+$0x0] =	vst v30  }
0x1ac: {  	v19 =	vmul.f32 v31, v29;
	v27 =	vmul.f32 v33, v32;
	v21 =	vld [tilespmem:s28+$0xFFFFFFF0];
	s28 =	sadd.s32 $0x80, s28;
	[tilespmem:s11+$0x10] =	vst v34  }
0x1ad: {  	v18 =	vmul.f32 v24, v18;
	v5 =	vadd.f32 v5, v26  }
0x1ae: {  	v7 =	vmul.f32 v10, v7;
	v4 =	vadd.f32 v4, v25;
	v10 =	vadd.f32 v14, v27  }
0x1af: {  	v58 =	vmul.f32 v23, v16;
	v2 =	vadd.f32 v2, v19;
	v8 =	vadd.f32 v8, v18  }
0x1b0: {  	v11 =	vmul.f32 v22, v11;
	v3 =	vadd.f32 v3, v7;
	vm0 =	vge.f32 v10, $1.000000000e+00  }
0x1b1: {  	v14 =	vadd.f32 v20, v58;
	v7 =	vsel vm0, $0x3F800000, v0;
	vm0 =	vge.f32 v8, $1.000000000e+00  }
0x1b2: {  	[tilespmem:s10+$0x10] =	vst v12;
	v11 =	vadd.f32 v21, v11;
	v59 =	vmax.f32 v13, v7;
	v60 =	vsel vm0, $0x3F800000, v0  }
0x1b3: {  	[tilespmem:s11+$0x20] =	vst v17;
	vm0 =	vge.f32 v14, $1.000000000e+00;
	v10 =	vsub.f32 v10, v7;
	v12 =	vmax.f32 v59, v60  }
0x1b4: {  	[tilespmem:s11+$0x30] =	vst v15;
	v61 =	vsel vm0, $0x3F800000, v0;
	vm0 =	vge.f32 v11, $1.000000000e+00;
	v8 =	vsub.f32 v8, v60  }
0x1b5: {  	[tilespmem:s10+$0x20] =	vst v9;
	v9 =	vmax.f32 v12, v61;
	v62 =	vsel vm0, $0x3F800000, v0;
	vm0 =	vge.f32 v3, $1.000000000e+00  }
0x1b6: {  	s14 =	sadd.s32 $0x80, s11;
	[tilespmem:s10+$0x30] =	vst v6;
	v9 =	vmax.f32 v9, v62;
	v63 =	vsel vm0, $0x3F800000, v0;
	vm0 =	vge.f32 v5, $1.000000000e+00  }
0x1b7: {  	s28 =	sadd.s32 $0x80, s10;
	[tilespmem:s14+$0xFFFFFFC0] =	vst v10;
	v6 =	vmax.f32 v9, v63;
	v9 =	vsel vm0, $0x3F800000, v0;
	vm0 =	vge.f32 v4, $1.000000000e+00  }
0x1b8: {  	[tilespmem:s28+$0xFFFFFFC0] =	vst v7;
	v6 =	vmax.f32 v6, v9;
	v10 =	vsel vm0, $0x3F800000, v0;
	vm0 =	vge.f32 v2, $1.000000000e+00  }
0x1b9: {  	v14 =	vsub.f32 v14, v61;
	[tilespmem:s14+$0xFFFFFFD0] =	vst v8;
	v6 =	vmax.f32 v6, v10;
	v7 =	vsel vm0, $0x3F800000, v0  }
0x1ba: {  	[tilespmem:s28+$0xFFFFFFD0] =	vst v60;
	v6 =	vmax.f32 v6, v7  }
0x1bb: {  	v8 =	vsub.f32 v11, v62;
	[tilespmem:s14+$0xFFFFFFE0] =	vst v14;
	(xrf0) =	vmax.scan.msk.f32 $0xffff, v6  }
0x1bc: {  	[tilespmem:s28+$0xFFFFFFE0] =	vst v61  }
0x1bd: {  	v3 =	vsub.f32 v3, v63;
	[tilespmem:s14+$0xFFFFFFF0] =	vst v8  }
0x1be: {  	[tilespmem:s28+$0xFFFFFFF0] =	vst v62  }
0x1bf: {  	v5 =	vsub.f32 v5, v9;
	[tilespmem:s14+$0x0] =	vst v3  }
0x1c0: {  	[tilespmem:s28+$0x0] =	vst v63  }
0x1c1: {  	v3 =	vsub.f32 v4, v10;
	[tilespmem:s14+$0x10] =	vst v5;
	v4, _, _ =	vpop (xrf0)  }
0x1c2: {  	[tilespmem:s28+$0x10] =	vst v9;
	v5 =	vperm.xlane v4, v1  }
0x1c3: {  	v2 =	vsub.f32 v2, v7;
	[tilespmem:s14+$0x20] =	vst v3  }
0x1c4: {  	[tilespmem:s28+$0x20] =	vst v10;
	v3 =	vmax.f32 v4, v5  }
0x1c5: {  	[tilespmem:s14+$0x30] =	vst v2;
	(xrf0) =	vmax.scan.msk.f32 $0xffff, v3  }
0x1c6: {  	s10 =	simm.s32 $0xF040;
	[tilespmem:s28+$0x30] =	vst v7  }
0x1c7: {  	v6 =	vld [tilespmem:s10+$0x30]  }
0x1c8: {  	v9 =	vld [tilespmem:s10+$0xFFFFFFD0]  }
0x1c9: {  	v8 =	vld [tilespmem:s10+$0xFFFFFFE0]  }
0x1ca: {  	v7 =	vld [tilespmem:s10+$0xFFFFFFF0]  }
0x1cb: {  	v5 =	vld [tilespmem:s10+$0x0];
	v2, _, _ =	vpop (xrf0)  }
0x1cc: {  	v4 =	vld [tilespmem:s10+$0x10];
	vm0 =	vge.f32 v6, v2  }
0x1cd: {  	v3 =	vld [tilespmem:s10+$0x20];
	vm1 =	vge.f32 v9, v2;
	v10 =	vnsel vm0, $0x0, v6  }
0x1ce: {  	s11 =	simm.s32 $0x0;
	s12 =	simm.s32 $0xF0C0;
	v6 =	vld [tilespmem:s10+$0xFFFFFFC0];
	v9 =	vnsel vm1, $0x0, v9;
	vm0 =	vge.f32 v8, v2;
	[tilespmem:s10+$0x30] =	vst v10  }
.LBB2_13:
0x1cf: {  	v10 =	vld [tilespmem:s12+$0x30];
	s11 =	sadd.s32 $0x80, s11;
	[tilespmem:s10+$0xFFFFFFD0] =	vst v9;
	v8 =	vnsel vm0, $0x0, v8;
	vm0 =	vge.f32 v7, v2  }
0x1d0: {  	v9 =	vld [tilespmem:s12+$0xFFFFFFD0];
	p2 =	slt.u32 s11, $0xF80;
	[tilespmem:s10+$0xFFFFFFE0] =	vst v8;
	v7 =	vnsel vm0, $0x0, v7;
	vm0 =	vge.f32 v5, v2  }
0x1d1: {  	v8 =	vld [tilespmem:s12+$0xFFFFFFE0];
	[tilespmem:s10+$0xFFFFFFF0] =	vst v7;
	v5 =	vnsel vm0, $0x0, v5;
	vm0 =	vge.f32 v4, v2  }
.Ltmp5:
0x1d2: {  	v7 =	vld [tilespmem:s12+$0xFFFFFFF0];
	[tilespmem:s10+$0x0] =	vst v5;
	v4 =	vnsel vm0, $0x0, v4;
	vm0 =	vge.f32 v3, v2;
	(pc) =	sbr.rel @p2 .LBB2_13-.Ltmp5, $4  }
0x1d3: {  	v5 =	vld [tilespmem:s12+$0x0];
	vm1 =	vge.f32 v6, v2;
	[tilespmem:s10+$0x10] =	vst v4;
	v3 =	vnsel vm0, $0x0, v3  }
0x1d4: {  	v4 =	vld [tilespmem:s12+$0x10];
	vm0 =	vge.f32 v10, v2;
	v6 =	vnsel vm1, $0x0, v6;
	[tilespmem:s10+$0x20] =	vst v3  }
0x1d5: {  	vm1 =	vge.f32 v9, v2;
	v3 =	vld [tilespmem:s12+$0x20];
	v10 =	vnsel vm0, $0x0, v10;
	[tilespmem:s10+$0xFFFFFFC0] =	vst v6;
	s10 =	smov.u32 s12  }
0x1d6: {  	s12 =	sadd.s32 $0x80, s12;
	v6 =	vld [tilespmem:s10+$0xFFFFFFC0];
	v9 =	vnsel vm1, $0x0, v9;
	vm0 =	vge.f32 v8, v2;
	[tilespmem:s10+$0x30] =	vst v10  }
0x1d7: {  	[tilespmem:s10+$0xFFFFFFD0] =	vst v9;
	v8 =	vnsel vm0, $0x0, v8;
	vm4 =	vge.f32 v7, v2  }
0x1d8: {  	[tilespmem:s10+$0xFFFFFFE0] =	vst v8;
	v7 =	vnsel vm4, $0x0, v7;
	vm5 =	vge.f32 v5, v2  }
0x1d9: {  	[tilespmem:s10+$0xFFFFFFF0] =	vst v7;
	v5 =	vnsel vm5, $0x0, v5;
	vm6 =	vge.f32 v4, v2  }
0x1da: {  	[tilespmem:s10+$0x0] =	vst v5;
	v4 =	vnsel vm6, $0x0, v4;
	vm7 =	vge.f32 v3, v2  }
0x1db: {  	vm1 =	vge.f32 v6, v2;
	[tilespmem:s10+$0x10] =	vst v4;
	v2 =	vnsel vm7, $0x0, v3  }
0x1dc: {  	s11 =	sor.u32 $0x20, s18;
	v3 =	vnsel vm1, $0x0, v6;
	[tilespmem:s10+$0x20] =	vst v2  }
0x1dd: {  	s12 =	sadd.s32 s4, s11;
	[tilespmem:s10+$0xFFFFFFC0] =	vst v3;
	s10 =	sadd.s32 @!p1 $0x6, s17  }
0x1de: {  	[hbm4b:s12+s19] =	stream.strided.scatter [tilespmem:s23], [sflag:$0x7], $0x1000, s20, s19, $0x38;
	[tilespmem:$0x11000] =	vst v63  }
0x1df: {  	s13 =	sadd.s32 s5, s11;
	s11 =	sadd.s32 @!p1 s7, s10  }
0x1e0: {  	s11 =	sshll.u32 @!p1 s11, $0xF  }
0x1e1: {  	[hbm4b:s13+s19] =	stream.strided.scatter [tilespmem:s24], [sflag:$0x7], $0x1000, s20, s19, $0x38;
	[tilespmem:$0x11000] =	vst v63  }
0x1e2: {  	s10 =	sshll.u32 @!p1 s10, $0x7;
	s11 =	sand.u32 @!p1 $0x7C0000, s11  }
0x1e3: {  	s10 =	sand.u32 @!p1 $0x300, s10;
	s11 =	sadd.s32 @!p1 s9, s11  }
0x1e4: {  	s10 =	sor.u32 @!p1 s10, s11  }
0x1e5: {  	s14 =	simm.s32 @!p1 $0x3000;
	s10 =	sshrl.u32 @!p1 s10, $0x3  }
0x1e6: {  	s12 =	simm.s32 @!p1 $0x80;
	s13 =	simm.s32 @!p1 $0x400;
	s11 =	sadd.s32 @!p1 s0, s10  }
0x1e7: {  	[tilespmem:s14], [sflag:$0x3] =	stream.strided.gather @!p1 [hbm4b:s11+s12], $0x1000, s13, s12, $0x38;
	[tilespmem:$0x11000] =	vst v63  }
0x1e8: {  	s10 =	sadd.s32 @!p1 s1, s10;
	s11 =	simm.s32 @!p1 $0x7000  }
0x1e9: {  	[tilespmem:s11], [sflag:$0x3] =	stream.strided.gather @!p1 [hbm4b:s10+s12], $0x1000, s13, s12, $0x38;
	[tilespmem:$0x11000] =	vst v63  }
0x1ea: {  	_ =	swait.ge [sflag:s25], $0x1000  }
0x1eb: {  	[sflag:s25] =	ssyncset.done $0x0  }
0x1ec: {  	[sflag:s25] =	ssyncadd.s32 $0xFFFFF000  }
0x1ed: {  	_ =	swait.ge [sflag:s25], $0x1000  }
0x1ee: {  	[sflag:s25] =	ssyncset.done $0x0  }
0x1ef: {  	s10 =	simm.s32 @!p0 $0x8;
	[sflag:s25] =	ssyncadd.s32 $0xFFFFF000  }
0x1f0: {  	_ =	swait.ge @!p0 [sflag:s10], $0x1000  }
0x1f1: {  	[sflag:s10] =	ssyncset.done @!p0 $0x0  }
0x1f2: {  	[sflag:s10] =	ssyncadd.s32 @!p0 $0xFFFFF000  }
0x1f3: {  	_ =	swait.ge @!p0 [sflag:s10], $0x1000  }
0x1f4: {  	[sflag:s10] =	ssyncset.done @!p0 $0x0  }
0x1f5: {  	s14 =	simm.s32 $0x4040;
	[sflag:s10] =	ssyncadd.s32 @!p0 $0xFFFFF000  }
0x1f6: {  	v6 =	vld [tilespmem:s14+$0x10]  }
0x1f7: {  	v7 =	vld [tilespmem:s14+$0x20]  }
0x1f8: {  	v9 =	vld [tilespmem:s14+$0x30]  }
0x1f9: {  	s17 =	simm.s32 $0x40;
	v8 =	vld [tilespmem:s14+$0x0]  }
0x1fa: {  	s18 =	simm.s32 $0x8040;
	v10 =	vld [tilespmem:s17+$0x10]  }
0x1fb: {  	v11 =	vld [tilespmem:s18+$0x10]  }
0x1fc: {  	v12 =	vld [tilespmem:s17+$0x20]  }
0x1fd: {  	v13 =	vld [tilespmem:s18+$0x20]  }
0x1fe: {  	v14 =	vld [tilespmem:s17+$0x30]  }
0x1ff: {  	v15 =	vld [tilespmem:s18+$0x30]  }
0x200: {  	v16 =	vld [tilespmem:s17+$0x0]  }
0x201: {  	v17 =	vld [tilespmem:s18+$0x0]  }
0x202: {  	v18 =	vld [tilespmem:s14+$0xFFFFFFD0]  }
0x203: {  	v19 =	vld [tilespmem:s17+$0xFFFFFFF0]  }
0x204: {  	v20 =	vld [tilespmem:s14+$0xFFFFFFC0]  }
0x205: {  	v21 =	vld [tilespmem:s17+$0xFFFFFFE0]  }
0x206: {  	v22 =	vld [tilespmem:s17+$0xFFFFFFD0]  }
0x207: {  	v23 =	vld [tilespmem:s17+$0xFFFFFFC0]  }
0x208: {  	v24 =	vld [tilespmem:s18+$0xFFFFFFC0]  }
0x209: {  	v25 =	vld [tilespmem:s18+$0xFFFFFFD0]  }
0x20a: {  	v26 =	vld [tilespmem:s18+$0xFFFFFFE0]  }
0x20b: {  	v27 =	vld [tilespmem:s18+$0xFFFFFFF0]  }
0x20c: {  	v28 =	vld [tilespmem:s14+$0xFFFFFFE0]  }
0x20d: {  	s28 =	simm.s32 $0x40C0;
	v29 =	vld [tilespmem:s14+$0xFFFFFFF0]  }
0x20e: {  	v5 =	vld [tilespmem:s28+$0x10]  }
0x20f: {  	v4 =	vld [tilespmem:s28+$0x20]  }
0x210: {  	v2 =	vld [tilespmem:s28+$0x30]  }
0x211: {  	s12 =	simm.s32 $0xC0;
	v3 =	vld [tilespmem:s28+$0x0]  }
0x212: {  	s13 =	simm.s32 $0x80C0;
	v30 =	vld [tilespmem:s12+$0x10]  }
0x213: {  	v31 =	vld [tilespmem:s13+$0x10];
	v10 =	vmul.f32 v11, v10;
	v11 =	vmul.f32 v24, v23  }
0x214: {  	v32 =	vld [tilespmem:s12+$0x30];
	v12 =	vmul.f32 v13, v12;
	v16 =	vmul.f32 v17, v16  }
0x215: {  	v33 =	vld [tilespmem:s13+$0xFFFFFFC0];
	v13 =	vmul.f32 v15, v14;
	v14 =	vmul.f32 v25, v22;
	v11 =	vadd.f32 v20, v11  }
0x216: {  	v15 =	vld [tilespmem:s12+$0x20];
	v17 =	vadd.f32 v6, v10;
	v6 =	vmul.f32 v26, v21;
	v21 =	vadd.f32 v8, v16  }
0x217: {  	v25 =	vld [tilespmem:s13+$0x20];
	v20 =	vadd.f32 v7, v12;
	v12 =	vadd.f32 v18, v14;
	vm8 =	vge.f32 v11, $1.000000000e+00  }
0x218: {  	v10 =	vmul.f32 v27, v19;
	v19 =	vld [tilespmem:s13+$0x30];
	vm12 =	vge.f32 v21, $1.000000000e+00;
	v16 =	vsel vm8, $0x3F800000, v0  }
0x219: {  	v7 =	vld [tilespmem:s12+$0x0];
	v6 =	vadd.f32 v28, v6;
	v28 =	vsel vm12, $0x3F800000, v0;
	v14 =	vsub.f32 v11, v16  }
0x21a: {  	s11 =	simm.s32 $0xC040;
	v23 =	vimm.f32 $0.0e+00;
	v8 =	vld [tilespmem:s28+$0xFFFFFFD0];
	vm9 =	vge.f32 v12, $1.000000000e+00;
	v21 =	vsub.f32 v21, v28  }
0x21b: {  	v22 =	vadd.f32 v29, v10;
	v10 =	vld [tilespmem:s13+$0x0];
	v11 =	vmax.f32 v23, v16;
	v23 =	vsel vm9, $0x3F800000, v0;
	[tilespmem:s11+$0xFFFFFFC0] =	vst v14  }
0x21c: {  	s10 =	simm.s32 $0x10040;
	v27 =	vadd.f32 v9, v13;
	v29 =	vld [tilespmem:s12+$0xFFFFFFC0];
	vm10 =	vge.f32 v6, $1.000000000e+00;
	v12 =	vsub.f32 v12, v23;
	[tilespmem:s11+$0x0] =	vst v21  }
0x21d: {  	vm11 =	vge.f32 v22, $1.000000000e+00;
	v18 =	vmax.f32 v11, v23;
	v24 =	vsel vm10, $0x3F800000, v0;
	v11 =	vld [tilespmem:s12+$0xFFFFFFF0];
	[tilespmem:s10+$0xFFFFFFC0] =	vst v16  }
0x21e: {  	v13 =	vsel vm11, $0x3F800000, v0;
	v9 =	vmax.f32 v18, v24;
	v14 =	vld [tilespmem:s28+$0xFFFFFFC0];
	v6 =	vsub.f32 v6, v24;
	[tilespmem:s11+$0xFFFFFFD0] =	vst v12  }
0x21f: {  	vm13 =	vge.f32 v17, $1.000000000e+00;
	vm14 =	vge.f32 v20, $1.000000000e+00;
	v18 =	vld [tilespmem:s12+$0xFFFFFFD0];
	v9 =	vmax.f32 v9, v13;
	[tilespmem:s10+$0xFFFFFFD0] =	vst v23  }
0x220: {  	v22 =	vsub.f32 v22, v13;
	v16 =	vld [tilespmem:s12+$0xFFFFFFE0];
	v12 =	vsel vm13, $0x3F800000, v0;
	v9 =	vmax.f32 v9, v28;
	[tilespmem:s11+$0xFFFFFFE0] =	vst v6  }
0x221: {  	vm15 =	vge.f32 v27, $1.000000000e+00;
	v6 =	vmax.f32 v9, v12;
	[tilespmem:s10+$0xFFFFFFE0] =	vst v24;
	v9 =	vsel vm14, $0x3F800000, v0;
	v24 =	vld [tilespmem:s13+$0xFFFFFFD0]  }
0x222: {  	[tilespmem:s11+$0xFFFFFFF0] =	vst v22;
	v23 =	vld [tilespmem:s13+$0xFFFFFFE0];
	v22 =	vmax.f32 v6, v9;
	v6 =	vsel vm15, $0x3F800000, v0  }
0x223: {  	v34 =	vsub.f32 v17, v12;
	[tilespmem:s10+$0xFFFFFFF0] =	vst v13;
	v13 =	vmax.f32 v22, v6;
	v22 =	vld [tilespmem:s13+$0xFFFFFFF0]  }
0x224: {  	v26 =	vmul.f32 v31, v30;
	v25 =	vmul.f32 v25, v15;
	[tilespmem:s10+$0x0] =	vst v28;
	v17 =	vsub.f32 v20, v9;
	v20 =	vld [tilespmem:s28+$0xFFFFFFE0]  }
0x225: {  	s14 =	simm.s32 $0x80;
	s17 =	simm.s32 $0x4140;
	v19 =	vmul.f32 v19, v32;
	v21 =	vld [tilespmem:s28+$0xFFFFFFF0];
	[tilespmem:s11+$0x10] =	vst v34;
	v15 =	vsub.f32 v27, v6;
	v27 =	vmul.f32 v33, v29  }
.LBB2_15:
0x226: {  	v18 =	vmul.f32 v24, v18;
	v7 =	vmul.f32 v10, v7;
	v24 =	vadd.f32 v5, v26;
	v5 =	vld [tilespmem:s17+$0x10];
	[tilespmem:s10+$0x10] =	vst v12  }
0x227: {  	v14 =	vadd.f32 v14, v27;
	v10 =	vmul.f32 v23, v16;
	v16 =	vadd.f32 v4, v25;
	v4 =	vld [tilespmem:s17+$0x20];
	[tilespmem:s11+$0x20] =	vst v17  }
0x228: {  	v17 =	vadd.f32 v8, v18;
	v8 =	vmul.f32 v22, v11;
	v18 =	vadd.f32 v2, v19;
	v2 =	vld [tilespmem:s17+$0x30];
	[tilespmem:s10+$0x20] =	vst v9  }
0x229: {  	s12 =	sadd.s32 $0x80, s12;
	v19 =	vadd.f32 v3, v7;
	vm0 =	vge.f32 v14, $1.000000000e+00;
	v11 =	vadd.f32 v20, v10;
	v3 =	vld [tilespmem:s17+$0x0];
	[tilespmem:s11+$0x30] =	vst v15  }
0x22a: {  	s13 =	sadd.s32 $0x80, s13;
	v25 =	vld [tilespmem:s12+$0x10];
	v15 =	vsel vm0, $0x3F800000, v0;
	vm0 =	vge.f32 v17, $1.000000000e+00;
	v20 =	vadd.f32 v21, v8;
	[tilespmem:s10+$0x30] =	vst v6  }
0x22b: {  	v21 =	vld [tilespmem:s13+$0x10];
	v6 =	vmax.f32 v13, v15;
	v22 =	vsel vm0, $0x3F800000, v0;
	vm0 =	vge.f32 v11, $1.000000000e+00  }
0x22c: {  	v27 =	vld [tilespmem:s12+$0x20];
	v6 =	vmax.f32 v6, v22;
	v23 =	vsel vm0, $0x3F800000, v0;
	vm0 =	vge.f32 v20, $1.000000000e+00  }
0x22d: {  	v28 =	vld [tilespmem:s13+$0x20];
	v6 =	vmax.f32 v6, v23;
	v26 =	vsel vm0, $0x3F800000, v0;
	vm0 =	vge.f32 v19, $1.000000000e+00  }
0x22e: {  	v29 =	vld [tilespmem:s12+$0x30];
	v6 =	vmax.f32 v6, v26;
	v30 =	vsel vm0, $0x3F800000, v0;
	vm0 =	vge.f32 v24, $1.000000000e+00  }
0x22f: {  	v31 =	vld [tilespmem:s13+$0x30];
	v6 =	vmax.f32 v6, v30;
	v12 =	vsel vm0, $0x3F800000, v0;
	vm0 =	vge.f32 v16, $1.000000000e+00  }
0x230: {  	v7 =	vld [tilespmem:s12+$0x0];
	v6 =	vmax.f32 v6, v12;
	v9 =	vsel vm0, $0x3F800000, v0;
	vm0 =	vge.f32 v18, $1.000000000e+00  }
0x231: {  	v14 =	vsub.f32 v14, v15;
	v10 =	vld [tilespmem:s13+$0x0];
	v13 =	vmax.f32 v6, v9;
	v6 =	vsel vm0, $0x3F800000, v0  }
0x232: {  	s11 =	sadd.s32 $0x80, s11;
	v32 =	vsub.f32 v17, v22;
	v33 =	vsub.f32 v11, v23;
	v8 =	vld [tilespmem:s17+$0xFFFFFFD0];
	v13 =	vmax.f32 v13, v6  }
0x233: {  	s10 =	sadd.s32 $0x80, s10;
	v20 =	vsub.f32 v20, v26;
	v19 =	vsub.f32 v19, v30;
	v11 =	vld [tilespmem:s12+$0xFFFFFFF0];
	[tilespmem:s11+$0xFFFFFFC0] =	vst v14  }
0x234: {  	v34 =	vsub.f32 v24, v12;
	v17 =	vsub.f32 v16, v9;
	v14 =	vld [tilespmem:s17+$0xFFFFFFC0];
	[tilespmem:s10+$0xFFFFFFC0] =	vst v15  }
0x235: {  	v15 =	vsub.f32 v18, v6;
	v16 =	vld [tilespmem:s12+$0xFFFFFFE0];
	[tilespmem:s11+$0xFFFFFFD0] =	vst v32  }
0x236: {  	v18 =	vld [tilespmem:s12+$0xFFFFFFD0];
	[tilespmem:s10+$0xFFFFFFD0] =	vst v22  }
0x237: {  	s14 =	sadd.s32 $0x80, s14;
	v32 =	vld [tilespmem:s12+$0xFFFFFFC0];
	[tilespmem:s11+$0xFFFFFFE0] =	vst v33  }
0x238: {  	p0 =	slt.u32 s14, $0xF80;
	v33 =	vld [tilespmem:s13+$0xFFFFFFC0];
	[tilespmem:s10+$0xFFFFFFE0] =	vst v23  }
.Ltmp6:
0x239: {  	v24 =	vld [tilespmem:s13+$0xFFFFFFD0];
	[tilespmem:s11+$0xFFFFFFF0] =	vst v20;
	(pc) =	sbr.rel @p0 .LBB2_15-.Ltmp6, $4  }
0x23a: {  	v23 =	vld [tilespmem:s13+$0xFFFFFFE0];
	[tilespmem:s10+$0xFFFFFFF0] =	vst v26  }
0x23b: {  	v22 =	vld [tilespmem:s13+$0xFFFFFFF0];
	[tilespmem:s11+$0x0] =	vst v19  }
0x23c: {  	v26 =	vmul.f32 v21, v25;
	v25 =	vmul.f32 v28, v27;
	v20 =	vld [tilespmem:s17+$0xFFFFFFE0];
	[tilespmem:s10+$0x0] =	vst v30  }
0x23d: {  	v19 =	vmul.f32 v31, v29;
	v27 =	vmul.f32 v33, v32;
	v21 =	vld [tilespmem:s17+$0xFFFFFFF0];
	s17 =	sadd.s32 $0x80, s17;
	[tilespmem:s11+$0x10] =	vst v34  }
0x23e: {  	v18 =	vmul.f32 v24, v18;
	v5 =	vadd.f32 v5, v26  }
0x23f: {  	v7 =	vmul.f32 v10, v7;
	v4 =	vadd.f32 v4, v25;
	v10 =	vadd.f32 v14, v27  }
0x240: {  	v58 =	vmul.f32 v23, v16;
	v2 =	vadd.f32 v2, v19;
	v8 =	vadd.f32 v8, v18  }
0x241: {  	v11 =	vmul.f32 v22, v11;
	v3 =	vadd.f32 v3, v7;
	vm0 =	vge.f32 v10, $1.000000000e+00  }
0x242: {  	v14 =	vadd.f32 v20, v58;
	v7 =	vsel vm0, $0x3F800000, v0;
	vm0 =	vge.f32 v8, $1.000000000e+00  }
0x243: {  	[tilespmem:s10+$0x10] =	vst v12;
	v11 =	vadd.f32 v21, v11;
	v59 =	vmax.f32 v13, v7;
	v60 =	vsel vm0, $0x3F800000, v0  }
0x244: {  	[tilespmem:s11+$0x20] =	vst v17;
	vm0 =	vge.f32 v14, $1.000000000e+00;
	v10 =	vsub.f32 v10, v7;
	v12 =	vmax.f32 v59, v60  }
0x245: {  	[tilespmem:s11+$0x30] =	vst v15;
	v61 =	vsel vm0, $0x3F800000, v0;
	vm0 =	vge.f32 v11, $1.000000000e+00;
	v8 =	vsub.f32 v8, v60  }
0x246: {  	[tilespmem:s10+$0x20] =	vst v9;
	v9 =	vmax.f32 v12, v61;
	v62 =	vsel vm0, $0x3F800000, v0;
	vm0 =	vge.f32 v3, $1.000000000e+00  }
0x247: {  	s18 =	sadd.s32 $0x80, s11;
	[tilespmem:s10+$0x30] =	vst v6;
	v9 =	vmax.f32 v9, v62;
	v63 =	vsel vm0, $0x3F800000, v0;
	vm0 =	vge.f32 v5, $1.000000000e+00  }
0x248: {  	s28 =	sadd.s32 $0x80, s10;
	[tilespmem:s18+$0xFFFFFFC0] =	vst v10;
	v6 =	vmax.f32 v9, v63;
	v9 =	vsel vm0, $0x3F800000, v0;
	vm0 =	vge.f32 v4, $1.000000000e+00  }
0x249: {  	[tilespmem:s28+$0xFFFFFFC0] =	vst v7;
	v6 =	vmax.f32 v6, v9;
	v10 =	vsel vm0, $0x3F800000, v0;
	vm0 =	vge.f32 v2, $1.000000000e+00  }
0x24a: {  	v14 =	vsub.f32 v14, v61;
	[tilespmem:s18+$0xFFFFFFD0] =	vst v8;
	v6 =	vmax.f32 v6, v10;
	v7 =	vsel vm0, $0x3F800000, v0  }
0x24b: {  	[tilespmem:s28+$0xFFFFFFD0] =	vst v60;
	v6 =	vmax.f32 v6, v7  }
0x24c: {  	v8 =	vsub.f32 v11, v62;
	[tilespmem:s18+$0xFFFFFFE0] =	vst v14;
	(xrf0) =	vmax.scan.msk.f32 $0xffff, v6  }
0x24d: {  	[tilespmem:s28+$0xFFFFFFE0] =	vst v61  }
0x24e: {  	v3 =	vsub.f32 v3, v63;
	[tilespmem:s18+$0xFFFFFFF0] =	vst v8  }
0x24f: {  	[tilespmem:s28+$0xFFFFFFF0] =	vst v62  }
0x250: {  	v5 =	vsub.f32 v5, v9;
	[tilespmem:s18+$0x0] =	vst v3  }
0x251: {  	[tilespmem:s28+$0x0] =	vst v63  }
0x252: {  	v3 =	vsub.f32 v4, v10;
	[tilespmem:s18+$0x10] =	vst v5;
	v4, _, _ =	vpop (xrf0)  }
0x253: {  	[tilespmem:s28+$0x10] =	vst v9;
	v5 =	vperm.xlane v4, v1  }
0x254: {  	v2 =	vsub.f32 v2, v7;
	[tilespmem:s18+$0x20] =	vst v3  }
0x255: {  	[tilespmem:s28+$0x20] =	vst v10;
	v3 =	vmax.f32 v4, v5  }
0x256: {  	[tilespmem:s18+$0x30] =	vst v2;
	(xrf0) =	vmax.scan.msk.f32 $0xffff, v3  }
0x257: {  	s10 =	simm.s32 $0x10040;
	[tilespmem:s28+$0x30] =	vst v7  }
0x258: {  	v6 =	vld [tilespmem:s10+$0x30]  }
0x259: {  	v9 =	vld [tilespmem:s10+$0xFFFFFFD0]  }
0x25a: {  	v8 =	vld [tilespmem:s10+$0xFFFFFFE0]  }
0x25b: {  	v7 =	vld [tilespmem:s10+$0xFFFFFFF0]  }
0x25c: {  	v5 =	vld [tilespmem:s10+$0x0];
	v2, _, _ =	vpop (xrf0)  }
0x25d: {  	v4 =	vld [tilespmem:s10+$0x10];
	vm0 =	vge.f32 v6, v2  }
0x25e: {  	v3 =	vld [tilespmem:s10+$0x20];
	vm1 =	vge.f32 v9, v2;
	v10 =	vnsel vm0, $0x0, v6  }
0x25f: {  	s11 =	simm.s32 $0x0;
	s12 =	simm.s32 $0x100C0;
	v6 =	vld [tilespmem:s10+$0xFFFFFFC0];
	v9 =	vnsel vm1, $0x0, v9;
	vm0 =	vge.f32 v8, v2;
	[tilespmem:s10+$0x30] =	vst v10  }
.LBB2_17:
0x260: {  	v10 =	vld [tilespmem:s12+$0x30];
	s11 =	sadd.s32 $0x80, s11;
	[tilespmem:s10+$0xFFFFFFD0] =	vst v9;
	v8 =	vnsel vm0, $0x0, v8;
	vm0 =	vge.f32 v7, v2  }
0x261: {  	v9 =	vld [tilespmem:s12+$0xFFFFFFD0];
	p0 =	slt.u32 s11, $0xF80;
	[tilespmem:s10+$0xFFFFFFE0] =	vst v8;
	v7 =	vnsel vm0, $0x0, v7;
	vm0 =	vge.f32 v5, v2  }
0x262: {  	v8 =	vld [tilespmem:s12+$0xFFFFFFE0];
	[tilespmem:s10+$0xFFFFFFF0] =	vst v7;
	v5 =	vnsel vm0, $0x0, v5;
	vm0 =	vge.f32 v4, v2  }
.Ltmp7:
0x263: {  	v7 =	vld [tilespmem:s12+$0xFFFFFFF0];
	[tilespmem:s10+$0x0] =	vst v5;
	v4 =	vnsel vm0, $0x0, v4;
	vm0 =	vge.f32 v3, v2;
	(pc) =	sbr.rel @p0 .LBB2_17-.Ltmp7, $4  }
0x264: {  	v5 =	vld [tilespmem:s12+$0x0];
	vm1 =	vge.f32 v6, v2;
	[tilespmem:s10+$0x10] =	vst v4;
	v3 =	vnsel vm0, $0x0, v3  }
0x265: {  	v4 =	vld [tilespmem:s12+$0x10];
	vm0 =	vge.f32 v10, v2;
	v6 =	vnsel vm1, $0x0, v6;
	[tilespmem:s10+$0x20] =	vst v3  }
0x266: {  	vm1 =	vge.f32 v9, v2;
	v3 =	vld [tilespmem:s12+$0x20];
	v10 =	vnsel vm0, $0x0, v10;
	[tilespmem:s10+$0xFFFFFFC0] =	vst v6;
	s10 =	smov.u32 s12  }
0x267: {  	s12 =	sadd.s32 $0x80, s12;
	v6 =	vld [tilespmem:s10+$0xFFFFFFC0];
	v9 =	vnsel vm1, $0x0, v9;
	vm0 =	vge.f32 v8, v2;
	[tilespmem:s10+$0x30] =	vst v10  }
0x268: {  	[tilespmem:s10+$0xFFFFFFD0] =	vst v9;
	v8 =	vnsel vm0, $0x0, v8;
	vm12 =	vge.f32 v7, v2  }
0x269: {  	[tilespmem:s10+$0xFFFFFFE0] =	vst v8;
	v7 =	vnsel vm12, $0x0, v7;
	vm13 =	vge.f32 v5, v2  }
0x26a: {  	[tilespmem:s10+$0xFFFFFFF0] =	vst v7;
	v5 =	vnsel vm13, $0x0, v5;
	vm14 =	vge.f32 v4, v2  }
0x26b: {  	s15 =	sadd.s32 $0x1, s15;
	[tilespmem:s10+$0x0] =	vst v5;
	v4 =	vnsel vm14, $0x0, v4;
	vm15 =	vge.f32 v3, v2  }
0x26c: {  	p0 =	sne.s32 s15, $0x8;
	vm1 =	vge.f32 v6, v2;
	[tilespmem:s10+$0x10] =	vst v4;
	v2 =	vnsel vm15, $0x0, v3  }
.Ltmp8:
0x26d: {  	v3 =	vnsel vm1, $0x0, v6;
	[tilespmem:s10+$0x20] =	vst v2;
	(pc) =	sbr.rel @p0 .LBB2_2-.Ltmp8, $4  }
0x26e: {  	s18 =	sadd.s32 s4, s16;
	[tilespmem:s10+$0xFFFFFFC0] =	vst v3  }
0x26f: {  	[hbm4b:s18+s19] =	stream.strided.scatter [tilespmem:s26], [sflag:$0x8], $0x1000, s20, s19, $0x38;
	[tilespmem:$0x11000] =	vst v63  }
0x270: {  	s28 =	sadd.s32 s5, s16  }
0x271: {  	[hbm4b:s28+s19] =	stream.strided.scatter [tilespmem:s6], [sflag:$0x8], $0x1000, s20, s19, $0x38;
	[tilespmem:$0x11000] =	vst v63  }
0x272: {  	s10 =	simm.s32 $0x5  }
0x273: {  	_ =	swait.ge [sflag:s10], $0x1000  }
0x274: {  	[sflag:s10] =	ssyncset.done $0x0  }
0x275: {  	[sflag:s10] =	ssyncadd.s32 $0xFFFFF000  }
0x276: {  	_ =	swait.ge [sflag:s10], $0x1000  }
0x277: {  	[sflag:s10] =	ssyncset.done $0x0  }
0x278: {  	s17 =	simm.s32 $0x6;
	[sflag:s10] =	ssyncadd.s32 $0xFFFFF000  }
0x279: {  	_ =	swait.ge [sflag:s17], $0x1000  }
0x27a: {  	[sflag:s17] =	ssyncset.done $0x0  }
0x27b: {  	[sflag:s17] =	ssyncadd.s32 $0xFFFFF000  }
0x27c: {  	_ =	swait.ge [sflag:s17], $0x1000  }
0x27d: {  	[sflag:s17] =	ssyncset.done $0x0  }
0x27e: {  	s18 =	simm.s32 $0x7;
	[sflag:s17] =	ssyncadd.s32 $0xFFFFF000  }
0x27f: {  	_ =	swait.ge [sflag:s18], $0x1000  }
0x280: {  	[sflag:s18] =	ssyncset.done $0x0  }
0x281: {  	[sflag:s18] =	ssyncadd.s32 $0xFFFFF000  }
0x282: {  	_ =	swait.ge [sflag:s18], $0x1000  }
0x283: {  	[sflag:s18] =	ssyncset.done $0x0  }
0x284: {  	s11 =	simm.s32 $0x8;
	[sflag:s18] =	ssyncadd.s32 $0xFFFFF000  }
0x285: {  	_ =	swait.ge [sflag:s11], $0x1000  }
0x286: {  	[sflag:s11] =	ssyncset.done $0x0  }
0x287: {  	[sflag:s11] =	ssyncadd.s32 $0xFFFFF000  }
0x288: {  	_ =	swait.ge [sflag:s11], $0x1000  }
0x289: {  	s12 =	rddreg [dreg:$0xe]  }
0x28a: {  	s28 =	rddreg [dreg:$0xd];
	s12 =	sadd.s32 $0x1, s12  }
0x28b: {  	p0 =	sne.s32 s12, s28  }
.Ltmp9:
0x28c: {  	_ = 	snop;
	(pc) =	sbr.rel @p0 .LBB2_1-.Ltmp9, $3  }
0x28d: {  	_ =	sdelay $0x1  }
0x28e: {  	[sflag:s11] =	ssyncset.done $0x0  }
0x28f: {  	[sflag:s11] =	ssyncadd.s32 $0xFFFFF000  }
0x290: {  	_ =	sfence.sel $0x180000  }
0x291: {  	[bflag:$0x0] =	sbarrier.arrive $0xFFFF  }
0x292: {  	_ =	strace $0x90000047  }
0x293: {  	s0 =	stileid.u32;
	[bflag:$0x2] =	sbarrier.arrive $0xFFFF  }
0x294: {  	p0 =	sne.s32 s0, $0x0;
	s0 =	rddreg [dreg:$0x5]  }
0x295: {  	s0 =	sadd.s32 @!p0 $0x100000, s0  }
0x296: {  	[sflag:s0] =	ssyncadd.tile.s32 @!p0 $0x1;
	_ =	shalt  }
.Lfunc_end2:
_tile_overlayer_lowered:
.L_overlay_start_2:
0x297: {  	(tag) =	ssettag $0x2  }
0x298: {  	s0 =	rddreg [dreg:$0x0];
	s2 =	stileid.u32  }
0x299: {  	s1 =	rddreg [dreg:$0x1];
	p0 =	sne.s32 s2, $0x0  }
0x29a: {  	s3 =	rddreg [dreg:$0x2];
	[bflag:$0x3] =	sbarrier.arrive $0xFFFF;
	s2 =	simm.s32 @!p0 $0x1C09  }
0x29b: {  	[timem:s3], [sflag:s2] =	dma.local @!p0 [hbm:s0], s1  }
0x29c: {  	s0 =	simm.s32 @!p0 $0x9  }
0x29d: {  	_ =	swait.ge @!p0 [sflag:s0], s1  }
0x29e: {  	s1 =	ssub.s32 @!p0 $0x0, s1;
	[sflag:s0] =	ssyncset.done @!p0 $0x0  }
0x29f: {  	[sflag:s0] =	ssyncadd.s32 @!p0 s1  }
0x2a0: {  	[bflag:$0x3] =	sbarrier.arrive $0xFFFF  }
0x2a1: {  	_ =	shalt  }

</sc_bundles>
